<compile_context>
chip_gen: v7x
topology: tpu7x:2x2x1
jax: 0.10.2.dev20260603
libtpu: 0.0.44.dev20260713+nightly
codegen_flags: <defaults>
</compile_context>

<pallas_src>
import functools

import jax
import jax.numpy as jnp
from jax import lax
from jax.experimental import pallas as pl
from jax.experimental.pallas import tpu as pltpu
from jax.experimental.pallas import tpu_sc as plsc

N = 10000
E = 320000
D = 128
CD = 3
ED = 4
H = 128

CW = 16
NPAD = 10240
NSC = 2
NSUB = 16
NW = NSC * NSUB
EP = E
EPW = EP // NW
CHUNK = 80
NCH = EPW // CHUNK
GCH = 80
GNCH = EPW // GCH
ROWS_PER_SUB = NPAD // NSUB

_f32 = jnp.float32


def _prep_body(feats_ref, we1i_ref, we1j_ref, be1_ref, p_ref, q_ref):
    feats = feats_ref[...]
    p_ref[...] = jnp.dot(feats, we1i_ref[...],
                         preferred_element_type=_f32) + be1_ref[...]
    q_ref[...] = jnp.dot(feats, we1j_ref[...], preferred_element_type=_f32)


def _prep_call(feats, we1i, we1j, be1):
    bn = 1000
    return pl.pallas_call(
        _prep_body,
        grid=(N // bn,),
        in_specs=[
            pl.BlockSpec((bn, D), lambda i: (i, 0)),
            pl.BlockSpec((D, H), lambda i: (0, 0)),
            pl.BlockSpec((D, H), lambda i: (0, 0)),
            pl.BlockSpec((1, H), lambda i: (0, 0)),
        ],
        out_specs=[
            pl.BlockSpec((bn, H), lambda i: (i, 0)),
            pl.BlockSpec((bn, H), lambda i: (i, 0)),
        ],
        out_shape=[
            jax.ShapeDtypeStruct((NPAD, H), _f32),
            jax.ShapeDtypeStruct((NPAD, H), _f32),
        ],
    )(feats, we1i, we1j, be1)


def _gather_body(p_hbm, q_hbm, c_hbm, src_hbm, dst_hbm,
                 gp_hbm, gq_hbm, gcs_hbm, gcd_hbm,
                 idxs_v, idxd_v,
                 rpa, rqa, rcsa, rcda,
                 sa1, sa2, sa3, sa4):
    c = lax.axis_index("c")
    s = lax.axis_index("s")
    wid = s * NSC + c
    pltpu.sync_copy(src_hbm.at[wid], idxs_v)
    pltpu.sync_copy(dst_hbm.at[wid], idxd_v)
    base = wid * EPW

    @pl.loop(0, GNCH)
    def _(j):
        off = base + j * GCH
        cp1 = pltpu.async_copy(q_hbm.at[idxs_v.at[j]], rqa, sa1)
        cp2 = pltpu.async_copy(p_hbm.at[idxd_v.at[j]], rpa, sa2)
        cp3 = pltpu.async_copy(c_hbm.at[idxs_v.at[j]], rcsa, sa3)
        cp4 = pltpu.async_copy(c_hbm.at[idxd_v.at[j]], rcda, sa4)
        cp1.wait()
        pltpu.sync_copy(rqa, gq_hbm.at[pl.ds(off, GCH)])
        cp2.wait()
        pltpu.sync_copy(rpa, gp_hbm.at[pl.ds(off, GCH)])
        cp3.wait()
        pltpu.sync_copy(rcsa, gcs_hbm.at[pl.ds(off, GCH), pl.ds(0, CW)])
        cp4.wait()
        pltpu.sync_copy(rcda, gcd_hbm.at[pl.ds(off, GCH), pl.ds(0, CW)])


def _gather_call(p, q, coordp, src_r, dst_r):
    mesh = plsc.VectorSubcoreMesh(core_axis_name="c", subcore_axis_name="s")
    k = functools.partial(
        pl.kernel,
        out_type=(
            jax.ShapeDtypeStruct((EP, H), _f32),
            jax.ShapeDtypeStruct((EP, H), _f32),
            jax.ShapeDtypeStruct((EP, 128), _f32),
            jax.ShapeDtypeStruct((EP, 128), _f32),
        ),
        mesh=mesh,
        scratch_types=[
            pltpu.VMEM((GNCH, GCH), jnp.int32),
            pltpu.VMEM((GNCH, GCH), jnp.int32),
            pltpu.VMEM((GCH, H), _f32),
            pltpu.VMEM((GCH, H), _f32),
            pltpu.VMEM((GCH, CW), _f32),
            pltpu.VMEM((GCH, CW), _f32),
            pltpu.SemaphoreType.DMA,
            pltpu.SemaphoreType.DMA,
            pltpu.SemaphoreType.DMA,
            pltpu.SemaphoreType.DMA,
        ],
        compiler_params=pltpu.CompilerParams(use_tc_tiling_on_sc=False),
    )(_gather_body)
    return k(p, q, coordp, src_r, dst_r)


def _edge_body(gp_ref, gq_ref, gcs_ref, gcd_ref, ea_ref, wa_ref, wn_ref,
               we2_ref, be2_ref, wc1_ref, bc1_ref, wc2_ref, bc2_ref,
               v_ref, cv_ref):
    be = gp_ref.shape[0]
    dc = gcs_ref[:, :CD] - gcd_ref[:, :CD]
    dn2 = jnp.sum(dc * dc, axis=1, keepdims=True)
    pre1 = (gp_ref[...] + gq_ref[...]
            + jnp.dot(ea_ref[...], wa_ref[...], preferred_element_type=_f32)
            + dn2 * wn_ref[...])
    m = jax.nn.silu(pre1)
    bf16 = jnp.bfloat16
    m2 = jax.nn.silu(jnp.dot(m.astype(bf16), we2_ref[...].astype(bf16),
                             preferred_element_type=_f32) + be2_ref[...])
    t = jax.nn.silu(jnp.dot(m2.astype(bf16), wc1_ref[...].astype(bf16),
                            preferred_element_type=_f32) + bc1_ref[...])
    cw = jnp.sum(t * wc2_ref[...], axis=1, keepdims=True) + bc2_ref[...]
    v_ref[...] = m2
    cv_ref[...] = jnp.concatenate(
        [dc * cw, jnp.ones((be, 1), _f32), jnp.zeros((be, 128 - CD - 1), _f32)],
        axis=1)


def _edge_call(gp, gq, gcs, gcd, edge_attr, wa, wn, We2, be2, Wc1, bc1, wc2, bc2):
    be = 2560
    full = lambda i: (0, 0)
    return pl.pallas_call(
        _edge_body,
        grid=(EP // be,),
        in_specs=[
            pl.BlockSpec((be, H), lambda i: (i, 0)),
            pl.BlockSpec((be, H), lambda i: (i, 0)),
            pl.BlockSpec((be, 128), lambda i: (i, 0)),
            pl.BlockSpec((be, 128), lambda i: (i, 0)),
            pl.BlockSpec((be, ED), lambda i: (jnp.minimum(i, E // be - 1), 0)),
            pl.BlockSpec((ED, H), full),
            pl.BlockSpec((1, H), full),
            pl.BlockSpec((H, H), full),
            pl.BlockSpec((1, H), full),
            pl.BlockSpec((H, H), full),
            pl.BlockSpec((1, H), full),
            pl.BlockSpec((1, H), full),
            pl.BlockSpec((1, 1), full),
        ],
        out_specs=[
            pl.BlockSpec((be, H), lambda i: (i, 0)),
            pl.BlockSpec((be, 128), lambda i: (i, 0)),
        ],
        out_shape=[
            jax.ShapeDtypeStruct((EP, H), _f32),
            jax.ShapeDtypeStruct((EP, 128), _f32),
        ],
    )(gp, gq, gcs, gcd, edge_attr, wa, wn, We2, be2, Wc1, bc1, wc2, bc2)


def _scatter_body(v_hbm, cv_hbm, dst_hbm, outm_hbm, outc_hbm,
                  idx2_v, vala, cvala, valb, cvalb, accm_sh, accc_sh,
                  sa1, sa2, sai, sb1, sb2, sbi):
    c = lax.axis_index("c")
    s = lax.axis_index("s")

    @pl.loop(0, CHUNK)
    def _(r):
        @pl.loop(0, H, step=16)
        def _(l):
            vala[r, pl.ds(l, 16)] = jnp.zeros((16,), _f32)
        cvala[r, pl.ds(0, CW)] = jnp.zeros((CW,), _f32)

    @pl.loop(0, ROWS_PER_SUB, step=CHUNK)
    def _(z):
        pltpu.sync_copy(vala, accm_sh.at[pl.ds(s * ROWS_PER_SUB + z, CHUNK)])
        pltpu.sync_copy(cvala, accc_sh.at[pl.ds(s * ROWS_PER_SUB + z, CHUNK)])

    plsc.subcore_barrier()

    wid = s * NSC + c
    base = wid * EPW

    @pl.loop(0, NCH)
    def _(j):
        off = base + j * CHUNK
        cp1 = pltpu.async_copy(v_hbm.at[pl.ds(off, CHUNK)], vala, sa1)
        cp2 = pltpu.async_copy(cv_hbm.at[pl.ds(off, CHUNK), pl.ds(0, CW)],
                               cvala, sa2)
        cp3 = pltpu.async_copy(dst_hbm.at[wid, j], idx2_v.at[0], sai)
        cp1.wait()
        cp2.wait()
        cp3.wait()
        pltpu.sync_copy(vala, accm_sh.at[idx2_v.at[0]], add=True)
        pltpu.sync_copy(cvala, accc_sh.at[idx2_v.at[0]], add=True)

    plsc.subcore_barrier()
    pltpu.sync_copy(accm_sh.at[pl.ds(s * ROWS_PER_SUB, ROWS_PER_SUB)],
                    outm_hbm.at[c, pl.ds(s * ROWS_PER_SUB, ROWS_PER_SUB)])
    pltpu.sync_copy(accc_sh.at[pl.ds(s * ROWS_PER_SUB, ROWS_PER_SUB)],
                    outc_hbm.at[c, pl.ds(s * ROWS_PER_SUB, ROWS_PER_SUB),
                                pl.ds(0, CW)])


def _scatter_call(vals, cvals, dst_sc):
    mesh = plsc.VectorSubcoreMesh(core_axis_name="c", subcore_axis_name="s")
    k = functools.partial(
        pl.kernel,
        out_type=(
            jax.ShapeDtypeStruct((NSC, NPAD, H), _f32),
            jax.ShapeDtypeStruct((NSC, NPAD, 128), _f32),
        ),
        mesh=mesh,
        scratch_types=[
            pltpu.VMEM((2, CHUNK), jnp.int32),
            pltpu.VMEM((CHUNK, H), _f32),
            pltpu.VMEM((CHUNK, CW), _f32),
            pltpu.VMEM((CHUNK, H), _f32),
            pltpu.VMEM((CHUNK, CW), _f32),
            pltpu.VMEM_SHARED((NPAD, H), _f32),
            pltpu.VMEM_SHARED((NPAD, CW), _f32),
            pltpu.SemaphoreType.DMA,
            pltpu.SemaphoreType.DMA,
            pltpu.SemaphoreType.DMA,
            pltpu.SemaphoreType.DMA,
            pltpu.SemaphoreType.DMA,
            pltpu.SemaphoreType.DMA,
        ],
        compiler_params=pltpu.CompilerParams(use_tc_tiling_on_sc=False),
    )(_scatter_body)
    return k(vals, cvals, dst_sc)


def _node_body(m0_ref, m1_ref, c0_ref, c1_ref, feats_ref, coord_ref,
               wl1f_ref, wl1m_ref, bl1_ref, wl2_ref, bl2_ref, out_ref):
    sc_ = c0_ref[...] + c1_ref[...]
    feats = feats_ref[...]
    inv = 1.0 / jnp.maximum(sc_[:, CD:CD + 1], 1.0)
    m_i = (m0_ref[...] + m1_ref[...]) * inv
    mhat = sc_[:, :CD] * inv
    coord_out = coord_ref[...] + mhat
    h = jax.nn.silu(jnp.dot(feats, wl1f_ref[...], preferred_element_type=_f32)
                    + jnp.dot(m_i, wl1m_ref[...], preferred_element_type=_f32)
                    + bl1_ref[...])
    lat = feats + jnp.dot(h, wl2_ref[...], preferred_element_type=_f32) \
        + bl2_ref[...]
    out_ref[...] = jnp.concatenate([coord_out, lat], axis=1)


def _node_call(m0, m1, c0, c1, feats, coord, wl1f, wl1m, bl1, Wl2, bl2):
    bn = 1000
    full = lambda i: (0, 0)
    return pl.pallas_call(
        _node_body,
        grid=(N // bn,),
        in_specs=[
            pl.BlockSpec((bn, H), lambda i: (i, 0)),
            pl.BlockSpec((bn, H), lambda i: (i, 0)),
            pl.BlockSpec((bn, 128), lambda i: (i, 0)),
            pl.BlockSpec((bn, 128), lambda i: (i, 0)),
            pl.BlockSpec((bn, D), lambda i: (i, 0)),
            pl.BlockSpec((bn, CD), lambda i: (i, 0)),
            pl.BlockSpec((D, H), full),
            pl.BlockSpec((H, H), full),
            pl.BlockSpec((1, H), full),
            pl.BlockSpec((H, D), full),
            pl.BlockSpec((1, D), full),
        ],
        out_specs=pl.BlockSpec((bn, CD + D), lambda i: (i, 0)),
        out_shape=jax.ShapeDtypeStruct((N, CD + D), _f32),
    )(m0, m1, c0, c1, feats, coord, wl1f, wl1m, bl1, Wl2, bl2)


def kernel(x, edge_index, edge_attr,
           We1, be1, We2, be2,
           Wc1, bc1, Wc2, bc2,
           Wl1, bl1, Wl2, bl2):
    coord = x[:, :CD]
    feats = x[:, CD:]
    coordp = jnp.pad(coord, ((0, NPAD - N), (0, CW - CD)))
    src_g = edge_index[0].reshape(NW, GNCH, GCH)
    dst_g = edge_index[1].reshape(NW, GNCH, GCH)
    dst_r = edge_index[1].reshape(NW, NCH, CHUNK)

    we1i = We1[:D]
    we1j = We1[D:2 * D]
    wa = We1[2 * D:2 * D + ED]
    wn = We1[2 * D + ED:].reshape(1, H)

    p, q = _prep_call(feats, we1i, we1j, be1.reshape(1, H))
    gp, gq, gcs, gcd = _gather_call(p, q, coordp, src_g, dst_g)
    vals, cvals = _edge_call(gp, gq, gcs, gcd, edge_attr, wa, wn,
                             We2, be2.reshape(1, H), Wc1, bc1.reshape(1, H),
                             Wc2.reshape(1, H), bc2.reshape(1, 1))
    pm, pc = _scatter_call(vals, cvals, dst_r)
    out = _node_call(pm[0, :N], pm[1, :N], pc[0, :N], pc[1, :N], feats, coord,
                     Wl1[:D], Wl1[D:], bl1.reshape(1, H), Wl2, bl2.reshape(1, D))
    return out

# --- scband reference (transcript-rebuilt; emitter-appended) ---
"""Pipeline reference for scband-inverter-net-82643760709740 (READ-ONLY COPY).

The authoritative reference and input builder live on the scoring server;
editing this copy changes nothing except your own understanding.
"""

import jax, jax.numpy as jnp
import numpy as np

N = 10000
E = 320000
D = 128   # latent feature dim
CD = 3    # coord dim
ED = 4    # edge_attr dim
H = 128   # hidden dim of MLPs


def _linear_params(key, fan_in, fan_out):
    kw, _ = jax.random.split(key)
    scale = 1.0 / np.sqrt(fan_in)
    W = jax.random.normal(kw, (fan_in, fan_out), dtype=jnp.float32) * scale
    b = jnp.zeros((fan_out,), dtype=jnp.float32)
    return W, b


def setup_inputs(seed: int = 0) -> dict:
    key = jax.random.key(seed)
    ks = jax.random.split(key, 12)
    x = jax.random.normal(ks[0], (N, CD + D), dtype=jnp.float32)
    edge_index = jax.random.randint(ks[1], (2, E), 0, N, dtype=jnp.int32)
    edge_attr = jax.random.normal(ks[2], (E, ED), dtype=jnp.float32)
    # mlp_edge: Linear(2D+ED+1 -> H) + SiLU + Linear(H -> H) + SiLU
    We1, be1 = _linear_params(ks[3], 2 * D + ED + 1, H)
    We2, be2 = _linear_params(ks[4], H, H)
    # mlp_coord: Linear(H -> H) + SiLU + Linear(H -> 1)
    Wc1, bc1 = _linear_params(ks[5], H, H)
    Wc2, bc2 = _linear_params(ks[6], H, 1)
    # mlp_latent: Linear(D+H -> H) + SiLU + Linear(H -> D)
    Wl1, bl1 = _linear_params(ks[7], D + H, H)
    Wl2, bl2 = _linear_params(ks[8], H, D)
    return {"x": x, "edge_index": edge_index, "edge_attr": edge_attr,
            "We1": We1, "be1": be1, "We2": We2, "be2": be2,
            "Wc1": Wc1, "bc1": bc1, "Wc2": Wc2, "bc2": bc2,
            "Wl1": Wl1, "bl1": bl1, "Wl2": Wl2, "bl2": bl2}


def reference(x, edge_index, edge_attr,
              We1, be1, We2, be2,
              Wc1, bc1, Wc2, bc2,
              Wl1, bl1, Wl2, bl2):
    coord = x[:, :CD]
    feats = x[:, CD:]
    src = edge_index[0]  # j (source)
    dst = edge_index[1]  # i (target / aggregation index)

    diff_coord = coord[src] - coord[dst]              # [E, CD]
    diff_norm2 = jnp.sum(diff_coord ** 2, axis=-1, keepdims=True)  # [E, 1]
    edge_attr_feats = jnp.concatenate([edge_attr, diff_norm2], axis=-1)  # [E, ED+1]

    x_i = feats[dst]
    x_j = feats[src]
    # message MLP
    m = jnp.concatenate([x_i, x_j, edge_attr_feats], axis=-1)
    m = jax.nn.silu(m @ We1 + be1)
    m_ij = jax.nn.silu(m @ We2 + be2)                 # [E, H]

    # mean aggregation denominator
    cnt = jax.ops.segment_sum(jnp.ones((E, 1), dtype=jnp.float32), dst, num_segments=N)
    cnt = jnp.clip(cnt, 1.0)

    # coord update: aggregate(diff_coord * mlp_coord(m_ij)) with mean
    cw = jax.nn.silu(m_ij @ Wc1 + bc1) @ Wc2 + bc2    # [E, 1]
    mhat = jax.ops.segment_sum(diff_coord * cw, dst, num_segments=N) / cnt
    coord_out = coord + mhat

    # latent update: latent = feats + mlp_latent([feats, mean_agg(m_ij)])
    m_i = jax.ops.segment_sum(m_ij, dst, num_segments=N) / cnt
    h = jnp.concatenate([feats, m_i], axis=-1)
    h = jax.nn.silu(h @ Wl1 + bl1) @ Wl2 + bl2
    latent_out = feats + h

    return jnp.concatenate([coord_out, latent_out], axis=-1)

if __name__ == "__main__":
    import jax
    _d = setup_inputs()
    print(jax.jit(kernel)(*tuple(_d.values())))

</pallas_src>

<mosaic_0001>
#map = affine_map<(d0, d1) -> (0, 0)>
#map1 = affine_map<(d0, d1) -> (0, 0, 0)>
module attributes {stable_mosaic.version = 14 : i64} {
  func.func @_gather_body(%arg0: i32, %arg1: i32, %arg2: memref<10240x128xf32, #tpu.memory_space<hbm>>, %arg3: memref<10240x128xf32, #tpu.memory_space<hbm>>, %arg4: memref<10240x16xf32, #tpu.memory_space<hbm>>, %arg5: memref<32x125x80xi32, #tpu.memory_space<hbm>>, %arg6: memref<32x125x80xi32, #tpu.memory_space<hbm>>, %arg7: memref<320000x128xf32, #tpu.memory_space<hbm>>, %arg8: memref<320000x128xf32, #tpu.memory_space<hbm>>, %arg9: memref<320000x128xf32, #tpu.memory_space<hbm>>, %arg10: memref<320000x128xf32, #tpu.memory_space<hbm>>, %arg11: memref<125x80xi32, #tpu.memory_space<vmem>>, %arg12: memref<125x80xi32, #tpu.memory_space<vmem>>, %arg13: memref<80x128xf32, #tpu.memory_space<vmem>>, %arg14: memref<80x128xf32, #tpu.memory_space<vmem>>, %arg15: memref<80x16xf32, #tpu.memory_space<vmem>>, %arg16: memref<80x16xf32, #tpu.memory_space<vmem>>, %arg17: memref<!tpu.dma_semaphore, #tpu.memory_space<semaphore_mem>>, %arg18: memref<!tpu.dma_semaphore, #tpu.memory_space<semaphore_mem>>, %arg19: memref<!tpu.dma_semaphore, #tpu.memory_space<semaphore_mem>>, %arg20: memref<!tpu.dma_semaphore, #tpu.memory_space<semaphore_mem>>) attributes {dimension_semantics = [#tpu.dimension_semantics<core_parallel>, #tpu.dimension_semantics<subcore_parallel>], iteration_bounds = array<i64: 2, 16>, scalar_prefetch = 0 : i64, scratch_operands = 10 : i64, tpu.core_type = #tpu.core_type<sc_vector_subcore>, window_params = [{transform_indices = #map}, {transform_indices = #map}, {transform_indices = #map}, {transform_indices = #map1}, {transform_indices = #map1}, {transform_indices = #map}, {transform_indices = #map}, {transform_indices = #map}, {transform_indices = #map}]} {
    %mul3A = arith.constant 2 : i32
    %mul3A_0 = arith.muli %arg1, %mul3A : i32
    %add3A = arith.addi %mul3A_0, %arg0 : i32
    "tpu.region"() ({
      %run_scoped3A = tpu.sem_alloc : memref<!tpu.dma_semaphore, #tpu.memory_space<semaphore_mem>>
      %dma_start3A = arith.constant 0 : i32
      %dma_start3A_7 = arith.constant 0 : i32
      %dma_start3A_8 = tpu.memref_slice %arg5[%add3A, %dma_start3A, %dma_start3A_7] : memref<32x125x80xi32, #tpu.memory_space<hbm>> -> memref<1x125x80xi32, #tpu.memory_space<hbm>>
      %dma_start3A_9 = tpu.memref_squeeze %dma_start3A_8 : memref<1x125x80xi32, #tpu.memory_space<hbm>> -> memref<125x80xi32, #tpu.memory_space<hbm>>
      %dma_start3A_10 = arith.constant 0 : i32
      %dma_start3A_11 = arith.constant 0 : i32
      %dma_start3A_12 = tpu.memref_slice %arg5[%add3A, %dma_start3A_10, %dma_start3A_11] : memref<32x125x80xi32, #tpu.memory_space<hbm>> -> memref<1x125x80xi32, #tpu.memory_space<hbm>>
      %dma_start3A_13 = tpu.memref_squeeze %dma_start3A_12 : memref<1x125x80xi32, #tpu.memory_space<hbm>> -> memref<125x80xi32, #tpu.memory_space<hbm>>
      tpu.enqueue_dma source(%dma_start3A_13 : memref<125x80xi32, #tpu.memory_space<hbm>>) target(%arg11 : memref<125x80xi32, #tpu.memory_space<vmem>>) target_semaphore(%run_scoped3A : memref<!tpu.dma_semaphore, #tpu.memory_space<semaphore_mem>>)
      %dma_wait3A = arith.constant 0 : i32
      %dma_wait3A_14 = arith.constant 0 : i32
      %dma_wait3A_15 = tpu.memref_slice %arg5[%add3A, %dma_wait3A, %dma_wait3A_14] : memref<32x125x80xi32, #tpu.memory_space<hbm>> -> memref<1x125x80xi32, #tpu.memory_space<hbm>>
      %dma_wait3A_16 = tpu.memref_squeeze %dma_wait3A_15 : memref<1x125x80xi32, #tpu.memory_space<hbm>> -> memref<125x80xi32, #tpu.memory_space<hbm>>
      %dma_wait3A_17 = arith.constant 0 : i32
      %dma_wait3A_18 = arith.constant 0 : i32
      %dma_wait3A_19 = tpu.memref_slice %arg5[%add3A, %dma_wait3A_17, %dma_wait3A_18] : memref<32x125x80xi32, #tpu.memory_space<hbm>> -> memref<1x125x80xi32, #tpu.memory_space<hbm>>
      %dma_wait3A_20 = tpu.memref_squeeze %dma_wait3A_19 : memref<1x125x80xi32, #tpu.memory_space<hbm>> -> memref<125x80xi32, #tpu.memory_space<hbm>>
      tpu.wait_dma2 semaphore(%run_scoped3A : memref<!tpu.dma_semaphore, #tpu.memory_space<semaphore_mem>>) src(%dma_wait3A_20 : memref<125x80xi32, #tpu.memory_space<hbm>>) dst(%arg11 : memref<125x80xi32, #tpu.memory_space<vmem>>)
      tpu.yield
    }) : () -> ()
    "tpu.region"() ({
      %run_scoped3A = tpu.sem_alloc : memref<!tpu.dma_semaphore, #tpu.memory_space<semaphore_mem>>
      %dma_start3A = arith.constant 0 : i32
      %dma_start3A_7 = arith.constant 0 : i32
      %dma_start3A_8 = tpu.memref_slice %arg6[%add3A, %dma_start3A, %dma_start3A_7] : memref<32x125x80xi32, #tpu.memory_space<hbm>> -> memref<1x125x80xi32, #tpu.memory_space<hbm>>
      %dma_start3A_9 = tpu.memref_squeeze %dma_start3A_8 : memref<1x125x80xi32, #tpu.memory_space<hbm>> -> memref<125x80xi32, #tpu.memory_space<hbm>>
      %dma_start3A_10 = arith.constant 0 : i32
      %dma_start3A_11 = arith.constant 0 : i32
      %dma_start3A_12 = tpu.memref_slice %arg6[%add3A, %dma_start3A_10, %dma_start3A_11] : memref<32x125x80xi32, #tpu.memory_space<hbm>> -> memref<1x125x80xi32, #tpu.memory_space<hbm>>
      %dma_start3A_13 = tpu.memref_squeeze %dma_start3A_12 : memref<1x125x80xi32, #tpu.memory_space<hbm>> -> memref<125x80xi32, #tpu.memory_space<hbm>>
      tpu.enqueue_dma source(%dma_start3A_13 : memref<125x80xi32, #tpu.memory_space<hbm>>) target(%arg12 : memref<125x80xi32, #tpu.memory_space<vmem>>) target_semaphore(%run_scoped3A : memref<!tpu.dma_semaphore, #tpu.memory_space<semaphore_mem>>)
      %dma_wait3A = arith.constant 0 : i32
      %dma_wait3A_14 = arith.constant 0 : i32
      %dma_wait3A_15 = tpu.memref_slice %arg6[%add3A, %dma_wait3A, %dma_wait3A_14] : memref<32x125x80xi32, #tpu.memory_space<hbm>> -> memref<1x125x80xi32, #tpu.memory_space<hbm>>
      %dma_wait3A_16 = tpu.memref_squeeze %dma_wait3A_15 : memref<1x125x80xi32, #tpu.memory_space<hbm>> -> memref<125x80xi32, #tpu.memory_space<hbm>>
      %dma_wait3A_17 = arith.constant 0 : i32
      %dma_wait3A_18 = arith.constant 0 : i32
      %dma_wait3A_19 = tpu.memref_slice %arg6[%add3A, %dma_wait3A_17, %dma_wait3A_18] : memref<32x125x80xi32, #tpu.memory_space<hbm>> -> memref<1x125x80xi32, #tpu.memory_space<hbm>>
      %dma_wait3A_20 = tpu.memref_squeeze %dma_wait3A_19 : memref<1x125x80xi32, #tpu.memory_space<hbm>> -> memref<125x80xi32, #tpu.memory_space<hbm>>
      tpu.wait_dma2 semaphore(%run_scoped3A : memref<!tpu.dma_semaphore, #tpu.memory_space<semaphore_mem>>) src(%dma_wait3A_20 : memref<125x80xi32, #tpu.memory_space<hbm>>) dst(%arg12 : memref<125x80xi32, #tpu.memory_space<vmem>>)
      tpu.yield
    }) : () -> ()
    %mul3A_1 = arith.constant 10000 : i32
    %mul3A_2 = arith.muli %add3A, %mul3A_1 : i32
    %scan3A = arith.constant 0 : i32
    %scan3A_3 = arith.constant 125 : i32
    %scan3A_4 = arith.addi %scan3A, %scan3A_3 : i32
    %scan3A_5 = arith.constant 1 : i32
    scf.for %scan3A_7 = %scan3A to %scan3A_4 step %scan3A_5  : i32 {
      %mul3A_8 = arith.constant 1 : i32
      %mul3A_9 = arith.muli %scan3A_7, %mul3A_8 : i32
      %add3A_10 = arith.constant 0 : i32
      %add3A_11 = arith.addi %add3A_10, %mul3A_9 : i32
      %mul3A_12 = arith.constant 80 : i32
      %mul3A_13 = arith.muli %add3A_11, %mul3A_12 : i32
      %add3A_14 = arith.addi %mul3A_2, %mul3A_13 : i32
      %dma_start3A = arith.constant 0 : i32
      %dma_start3A_15 = tpu.memref_slice %arg11[%add3A_11, %dma_start3A] : memref<125x80xi32, #tpu.memory_space<vmem>> -> memref<1x80xi32, #tpu.memory_space<vmem>>
      %dma_start3A_16 = tpu.memref_squeeze %dma_start3A_15 : memref<1x80xi32, #tpu.memory_space<vmem>> -> memref<80xi32, #tpu.memory_space<vmem>>
      %dma_start3A_17 = arith.constant 0 : i32
      %dma_start3A_18 = arith.constant 0 : i32
      %dma_start3A_19 = tpu.memref_slice %arg3[%dma_start3A_17, %dma_start3A_18] : memref<10240x128xf32, #tpu.memory_space<hbm>> -> memref<10240x128xf32, #tpu.memory_space<hbm>>
      tpu.enqueue_indirect_dma source(%dma_start3A_19 : memref<10240x128xf32, #tpu.memory_space<hbm>>) target(%arg14 : memref<80x128xf32, #tpu.memory_space<vmem>>) offsets(%dma_start3A_16 : memref<80xi32, #tpu.memory_space<vmem>>) semaphore(%arg17 : memref<!tpu.dma_semaphore, #tpu.memory_space<semaphore_mem>>)
      %dma_start3A_20 = arith.constant 0 : i32
      %dma_start3A_21 = tpu.memref_slice %arg12[%add3A_11, %dma_start3A_20] : memref<125x80xi32, #tpu.memory_space<vmem>> -> memref<1x80xi32, #tpu.memory_space<vmem>>
      %dma_start3A_22 = tpu.memref_squeeze %dma_start3A_21 : memref<1x80xi32, #tpu.memory_space<vmem>> -> memref<80xi32, #tpu.memory_space<vmem>>
      %dma_start3A_23 = arith.constant 0 : i32
      %dma_start3A_24 = arith.constant 0 : i32
      %dma_start3A_25 = tpu.memref_slice %arg2[%dma_start3A_23, %dma_start3A_24] : memref<10240x128xf32, #tpu.memory_space<hbm>> -> memref<10240x128xf32, #tpu.memory_space<hbm>>
      tpu.enqueue_indirect_dma source(%dma_start3A_25 : memref<10240x128xf32, #tpu.memory_space<hbm>>) target(%arg13 : memref<80x128xf32, #tpu.memory_space<vmem>>) offsets(%dma_start3A_22 : memref<80xi32, #tpu.memory_space<vmem>>) semaphore(%arg18 : memref<!tpu.dma_semaphore, #tpu.memory_space<semaphore_mem>>)
      %dma_start3A_26 = arith.constant 0 : i32
      %dma_start3A_27 = tpu.memref_slice %arg11[%add3A_11, %dma_start3A_26] : memref<125x80xi32, #tpu.memory_space<vmem>> -> memref<1x80xi32, #tpu.memory_space<vmem>>
      %dma_start3A_28 = tpu.memref_squeeze %dma_start3A_27 : memref<1x80xi32, #tpu.memory_space<vmem>> -> memref<80xi32, #tpu.memory_space<vmem>>
      %dma_start3A_29 = arith.constant 0 : i32
      %dma_start3A_30 = arith.constant 0 : i32
      %dma_start3A_31 = tpu.memref_slice %arg4[%dma_start3A_29, %dma_start3A_30] : memref<10240x16xf32, #tpu.memory_space<hbm>> -> memref<10240x16xf32, #tpu.memory_space<hbm>>
      tpu.enqueue_indirect_dma source(%dma_start3A_31 : memref<10240x16xf32, #tpu.memory_space<hbm>>) target(%arg15 : memref<80x16xf32, #tpu.memory_space<vmem>>) offsets(%dma_start3A_28 : memref<80xi32, #tpu.memory_space<vmem>>) semaphore(%arg19 : memref<!tpu.dma_semaphore, #tpu.memory_space<semaphore_mem>>)
      %dma_start3A_32 = arith.constant 0 : i32
      %dma_start3A_33 = tpu.memref_slice %arg12[%add3A_11, %dma_start3A_32] : memref<125x80xi32, #tpu.memory_space<vmem>> -> memref<1x80xi32, #tpu.memory_space<vmem>>
      %dma_start3A_34 = tpu.memref_squeeze %dma_start3A_33 : memref<1x80xi32, #tpu.memory_space<vmem>> -> memref<80xi32, #tpu.memory_space<vmem>>
      %dma_start3A_35 = arith.constant 0 : i32
      %dma_start3A_36 = arith.constant 0 : i32
      %dma_start3A_37 = tpu.memref_slice %arg4[%dma_start3A_35, %dma_start3A_36] : memref<10240x16xf32, #tpu.memory_space<hbm>> -> memref<10240x16xf32, #tpu.memory_space<hbm>>
      tpu.enqueue_indirect_dma source(%dma_start3A_37 : memref<10240x16xf32, #tpu.memory_space<hbm>>) target(%arg16 : memref<80x16xf32, #tpu.memory_space<vmem>>) offsets(%dma_start3A_34 : memref<80xi32, #tpu.memory_space<vmem>>) semaphore(%arg20 : memref<!tpu.dma_semaphore, #tpu.memory_space<semaphore_mem>>)
      %dma_wait3A = arith.constant 0 : i32
      %dma_wait3A_38 = tpu.memref_slice %arg11[%add3A_11, %dma_wait3A] : memref<125x80xi32, #tpu.memory_space<vmem>> -> memref<1x80xi32, #tpu.memory_space<vmem>>
      %dma_wait3A_39 = tpu.memref_squeeze %dma_wait3A_38 : memref<1x80xi32, #tpu.memory_space<vmem>> -> memref<80xi32, #tpu.memory_space<vmem>>
      %dma_wait3A_40 = arith.constant 0 : i32
      %dma_wait3A_41 = arith.constant 0 : i32
      %dma_wait3A_42 = tpu.memref_slice %arg3[%dma_wait3A_40, %dma_wait3A_41] : memref<10240x128xf32, #tpu.memory_space<hbm>> -> memref<10240x128xf32, #tpu.memory_space<hbm>>
      tpu.wait_indirect_dma semaphore(%arg17 : memref<!tpu.dma_semaphore, #tpu.memory_space<semaphore_mem>>) src(%dma_wait3A_42 : memref<10240x128xf32, #tpu.memory_space<hbm>>) dst(%arg14 : memref<80x128xf32, #tpu.memory_space<vmem>>)
      "tpu.region"() ({
        %run_scoped3A = tpu.sem_alloc : memref<!tpu.dma_semaphore, #tpu.memory_space<semaphore_mem>>
        %dma_start3A_61 = arith.constant 0 : i32
        %dma_start3A_62 = tpu.memref_slice %arg8[%add3A_14, %dma_start3A_61] : memref<320000x128xf32, #tpu.memory_space<hbm>> -> memref<80x128xf32, #tpu.memory_space<hbm>>
        %dma_start3A_63 = arith.constant 0 : i32
        %dma_start3A_64 = tpu.memref_slice %arg8[%add3A_14, %dma_start3A_63] : memref<320000x128xf32, #tpu.memory_space<hbm>> -> memref<80x128xf32, #tpu.memory_space<hbm>>
        tpu.enqueue_dma source(%arg14 : memref<80x128xf32, #tpu.memory_space<vmem>>) target(%dma_start3A_64 : memref<80x128xf32, #tpu.memory_space<hbm>>) target_semaphore(%run_scoped3A : memref<!tpu.dma_semaphore, #tpu.memory_space<semaphore_mem>>)
        %dma_wait3A_65 = arith.constant 0 : i32
        %dma_wait3A_66 = tpu.memref_slice %arg8[%add3A_14, %dma_wait3A_65] : memref<320000x128xf32, #tpu.memory_space<hbm>> -> memref<80x128xf32, #tpu.memory_space<hbm>>
        %dma_wait3A_67 = arith.constant 0 : i32
        %dma_wait3A_68 = tpu.memref_slice %arg8[%add3A_14, %dma_wait3A_67] : memref<320000x128xf32, #tpu.memory_space<hbm>> -> memref<80x128xf32, #tpu.memory_space<hbm>>
        tpu.wait_dma2 semaphore(%run_scoped3A : memref<!tpu.dma_semaphore, #tpu.memory_space<semaphore_mem>>) src(%arg14 : memref<80x128xf32, #tpu.memory_space<vmem>>) dst(%dma_wait3A_68 : memref<80x128xf32, #tpu.memory_space<hbm>>)
        tpu.yield
      }) : () -> ()
      %dma_wait3A_43 = arith.constant 0 : i32
      %dma_wait3A_44 = tpu.memref_slice %arg12[%add3A_11, %dma_wait3A_43] : memref<125x80xi32, #tpu.memory_space<vmem>> -> memref<1x80xi32, #tpu.memory_space<vmem>>
      %dma_wait3A_45 = tpu.memref_squeeze %dma_wait3A_44 : memref<1x80xi32, #tpu.memory_space<vmem>> -> memref<80xi32, #tpu.memory_space<vmem>>
      %dma_wait3A_46 = arith.constant 0 : i32
      %dma_wait3A_47 = arith.constant 0 : i32
      %dma_wait3A_48 = tpu.memref_slice %arg2[%dma_wait3A_46, %dma_wait3A_47] : memref<10240x128xf32, #tpu.memory_space<hbm>> -> memref<10240x128xf32, #tpu.memory_space<hbm>>
      tpu.wait_indirect_dma semaphore(%arg18 : memref<!tpu.dma_semaphore, #tpu.memory_space<semaphore_mem>>) src(%dma_wait3A_48 : memref<10240x128xf32, #tpu.memory_space<hbm>>) dst(%arg13 : memref<80x128xf32, #tpu.memory_space<vmem>>)
      "tpu.region"() ({
        %run_scoped3A = tpu.sem_alloc : memref<!tpu.dma_semaphore, #tpu.memory_space<semaphore_mem>>
        %dma_start3A_61 = arith.constant 0 : i32
        %dma_start3A_62 = tpu.memref_slice %arg7[%add3A_14, %dma_start3A_61] : memref<320000x128xf32, #tpu.memory_space<hbm>> -> memref<80x128xf32, #tpu.memory_space<hbm>>
        %dma_start3A_63 = arith.constant 0 : i32
        %dma_start3A_64 = tpu.memref_slice %arg7[%add3A_14, %dma_start3A_63] : memref<320000x128xf32, #tpu.memory_space<hbm>> -> memref<80x128xf32, #tpu.memory_space<hbm>>
        tpu.enqueue_dma source(%arg13 : memref<80x128xf32, #tpu.memory_space<vmem>>) target(%dma_start3A_64 : memref<80x128xf32, #tpu.memory_space<hbm>>) target_semaphore(%run_scoped3A : memref<!tpu.dma_semaphore, #tpu.memory_space<semaphore_mem>>)
        %dma_wait3A_65 = arith.constant 0 : i32
        %dma_wait3A_66 = tpu.memref_slice %arg7[%add3A_14, %dma_wait3A_65] : memref<320000x128xf32, #tpu.memory_space<hbm>> -> memref<80x128xf32, #tpu.memory_space<hbm>>
        %dma_wait3A_67 = arith.constant 0 : i32
        %dma_wait3A_68 = tpu.memref_slice %arg7[%add3A_14, %dma_wait3A_67] : memref<320000x128xf32, #tpu.memory_space<hbm>> -> memref<80x128xf32, #tpu.memory_space<hbm>>
        tpu.wait_dma2 semaphore(%run_scoped3A : memref<!tpu.dma_semaphore, #tpu.memory_space<semaphore_mem>>) src(%arg13 : memref<80x128xf32, #tpu.memory_space<vmem>>) dst(%dma_wait3A_68 : memref<80x128xf32, #tpu.memory_space<hbm>>)
        tpu.yield
      }) : () -> ()
      %dma_wait3A_49 = arith.constant 0 : i32
      %dma_wait3A_50 = tpu.memref_slice %arg11[%add3A_11, %dma_wait3A_49] : memref<125x80xi32, #tpu.memory_space<vmem>> -> memref<1x80xi32, #tpu.memory_space<vmem>>
      %dma_wait3A_51 = tpu.memref_squeeze %dma_wait3A_50 : memref<1x80xi32, #tpu.memory_space<vmem>> -> memref<80xi32, #tpu.memory_space<vmem>>
      %dma_wait3A_52 = arith.constant 0 : i32
      %dma_wait3A_53 = arith.constant 0 : i32
      %dma_wait3A_54 = tpu.memref_slice %arg4[%dma_wait3A_52, %dma_wait3A_53] : memref<10240x16xf32, #tpu.memory_space<hbm>> -> memref<10240x16xf32, #tpu.memory_space<hbm>>
      tpu.wait_indirect_dma semaphore(%arg19 : memref<!tpu.dma_semaphore, #tpu.memory_space<semaphore_mem>>) src(%dma_wait3A_54 : memref<10240x16xf32, #tpu.memory_space<hbm>>) dst(%arg15 : memref<80x16xf32, #tpu.memory_space<vmem>>)
      "tpu.region"() ({
        %run_scoped3A = tpu.sem_alloc : memref<!tpu.dma_semaphore, #tpu.memory_space<semaphore_mem>>
        %dma_start3A_61 = arith.constant 0 : i32
        %dma_start3A_62 = tpu.memref_slice %arg9[%add3A_14, %dma_start3A_61] : memref<320000x128xf32, #tpu.memory_space<hbm>> -> memref<80x16xf32, #tpu.memory_space<hbm>>
        %dma_start3A_63 = arith.constant 0 : i32
        %dma_start3A_64 = tpu.memref_slice %arg9[%add3A_14, %dma_start3A_63] : memref<320000x128xf32, #tpu.memory_space<hbm>> -> memref<80x16xf32, #tpu.memory_space<hbm>>
        tpu.enqueue_dma source(%arg15 : memref<80x16xf32, #tpu.memory_space<vmem>>) target(%dma_start3A_64 : memref<80x16xf32, #tpu.memory_space<hbm>>) target_semaphore(%run_scoped3A : memref<!tpu.dma_semaphore, #tpu.memory_space<semaphore_mem>>)
        %dma_wait3A_65 = arith.constant 0 : i32
        %dma_wait3A_66 = tpu.memref_slice %arg9[%add3A_14, %dma_wait3A_65] : memref<320000x128xf32, #tpu.memory_space<hbm>> -> memref<80x16xf32, #tpu.memory_space<hbm>>
        %dma_wait3A_67 = arith.constant 0 : i32
        %dma_wait3A_68 = tpu.memref_slice %arg9[%add3A_14, %dma_wait3A_67] : memref<320000x128xf32, #tpu.memory_space<hbm>> -> memref<80x16xf32, #tpu.memory_space<hbm>>
        tpu.wait_dma2 semaphore(%run_scoped3A : memref<!tpu.dma_semaphore, #tpu.memory_space<semaphore_mem>>) src(%arg15 : memref<80x16xf32, #tpu.memory_space<vmem>>) dst(%dma_wait3A_68 : memref<80x16xf32, #tpu.memory_space<hbm>>)
        tpu.yield
      }) : () -> ()
      %dma_wait3A_55 = arith.constant 0 : i32
      %dma_wait3A_56 = tpu.memref_slice %arg12[%add3A_11, %dma_wait3A_55] : memref<125x80xi32, #tpu.memory_space<vmem>> -> memref<1x80xi32, #tpu.memory_space<vmem>>
      %dma_wait3A_57 = tpu.memref_squeeze %dma_wait3A_56 : memref<1x80xi32, #tpu.memory_space<vmem>> -> memref<80xi32, #tpu.memory_space<vmem>>
      %dma_wait3A_58 = arith.constant 0 : i32
      %dma_wait3A_59 = arith.constant 0 : i32
      %dma_wait3A_60 = tpu.memref_slice %arg4[%dma_wait3A_58, %dma_wait3A_59] : memref<10240x16xf32, #tpu.memory_space<hbm>> -> memref<10240x16xf32, #tpu.memory_space<hbm>>
      tpu.wait_indirect_dma semaphore(%arg20 : memref<!tpu.dma_semaphore, #tpu.memory_space<semaphore_mem>>) src(%dma_wait3A_60 : memref<10240x16xf32, #tpu.memory_space<hbm>>) dst(%arg16 : memref<80x16xf32, #tpu.memory_space<vmem>>)
      "tpu.region"() ({
        %run_scoped3A = tpu.sem_alloc : memref<!tpu.dma_semaphore, #tpu.memory_space<semaphore_mem>>
        %dma_start3A_61 = arith.constant 0 : i32
        %dma_start3A_62 = tpu.memref_slice %arg10[%add3A_14, %dma_start3A_61] : memref<320000x128xf32, #tpu.memory_space<hbm>> -> memref<80x16xf32, #tpu.memory_space<hbm>>
        %dma_start3A_63 = arith.constant 0 : i32
        %dma_start3A_64 = tpu.memref_slice %arg10[%add3A_14, %dma_start3A_63] : memref<320000x128xf32, #tpu.memory_space<hbm>> -> memref<80x16xf32, #tpu.memory_space<hbm>>
        tpu.enqueue_dma source(%arg16 : memref<80x16xf32, #tpu.memory_space<vmem>>) target(%dma_start3A_64 : memref<80x16xf32, #tpu.memory_space<hbm>>) target_semaphore(%run_scoped3A : memref<!tpu.dma_semaphore, #tpu.memory_space<semaphore_mem>>)
        %dma_wait3A_65 = arith.constant 0 : i32
        %dma_wait3A_66 = tpu.memref_slice %arg10[%add3A_14, %dma_wait3A_65] : memref<320000x128xf32, #tpu.memory_space<hbm>> -> memref<80x16xf32, #tpu.memory_space<hbm>>
        %dma_wait3A_67 = arith.constant 0 : i32
        %dma_wait3A_68 = tpu.memref_slice %arg10[%add3A_14, %dma_wait3A_67] : memref<320000x128xf32, #tpu.memory_space<hbm>> -> memref<80x16xf32, #tpu.memory_space<hbm>>
        tpu.wait_dma2 semaphore(%run_scoped3A : memref<!tpu.dma_semaphore, #tpu.memory_space<semaphore_mem>>) src(%arg16 : memref<80x16xf32, #tpu.memory_space<vmem>>) dst(%dma_wait3A_68 : memref<80x16xf32, #tpu.memory_space<hbm>>)
        tpu.yield
      }) : () -> ()
    }
    %scan3A_6 = arith.constant 125 : i32
    return
  }
}

#map = affine_map<(d0, d1) -> (0, 0)>
#map1 = affine_map<(d0, d1) -> (0, 0, 0)>
module attributes {stable_mosaic.version = 14 : i64} {
  func.func @_scatter_body(%arg0: i32, %arg1: i32, %arg2: memref<320000x128xf32, #tpu.memory_space<hbm>>, %arg3: memref<320000x128xf32, #tpu.memory_space<hbm>>, %arg4: memref<32x125x80xi32, #tpu.memory_space<hbm>>, %arg5: memref<2x10240x128xf32, #tpu.memory_space<hbm>>, %arg6: memref<2x10240x128xf32, #tpu.memory_space<hbm>>, %arg7: memref<2x80xi32, #tpu.memory_space<vmem>>, %arg8: memref<80x128xf32, #tpu.memory_space<vmem>>, %arg9: memref<80x16xf32, #tpu.memory_space<vmem>>, %arg10: memref<80x128xf32, #tpu.memory_space<vmem>>, %arg11: memref<80x16xf32, #tpu.memory_space<vmem>>, %arg12: memref<10240x128xf32, #tpu.memory_space<vmem_shared>>, %arg13: memref<10240x16xf32, #tpu.memory_space<vmem_shared>>, %arg14: memref<!tpu.dma_semaphore, #tpu.memory_space<semaphore_mem>>, %arg15: memref<!tpu.dma_semaphore, #tpu.memory_space<semaphore_mem>>, %arg16: memref<!tpu.dma_semaphore, #tpu.memory_space<semaphore_mem>>, %arg17: memref<!tpu.dma_semaphore, #tpu.memory_space<semaphore_mem>>, %arg18: memref<!tpu.dma_semaphore, #tpu.memory_space<semaphore_mem>>, %arg19: memref<!tpu.dma_semaphore, #tpu.memory_space<semaphore_mem>>) attributes {dimension_semantics = [#tpu.dimension_semantics<core_parallel>, #tpu.dimension_semantics<subcore_parallel>], iteration_bounds = array<i64: 2, 16>, scalar_prefetch = 0 : i64, scratch_operands = 13 : i64, tpu.core_type = #tpu.core_type<sc_vector_subcore>, window_params = [{transform_indices = #map}, {transform_indices = #map}, {transform_indices = #map1}, {transform_indices = #map1}, {transform_indices = #map1}]} {
    %scan3A = arith.constant 0 : i32
    %scan3A_0 = arith.constant 80 : i32
    %scan3A_1 = arith.addi %scan3A, %scan3A_0 : i32
    %scan3A_2 = arith.constant 1 : i32
    scf.for %scan3A_26 = %scan3A to %scan3A_1 step %scan3A_2  : i32 {
      %mul3A_27 = arith.constant 1 : i32
      %mul3A_28 = arith.muli %scan3A_26, %mul3A_27 : i32
      %add3A_29 = arith.constant 0 : i32
      %add3A_30 = arith.addi %add3A_29, %mul3A_28 : i32
      %scan3A_31 = arith.constant 0 : i32
      %scan3A_32 = arith.constant 8 : i32
      %scan3A_33 = arith.addi %scan3A_31, %scan3A_32 : i32
      %scan3A_34 = arith.constant 1 : i32
      scf.for %scan3A_41 = %scan3A_31 to %scan3A_33 step %scan3A_34  : i32 {
        %mul3A_42 = arith.constant 16 : i32
        %mul3A_43 = arith.muli %scan3A_41, %mul3A_42 : i32
        %add3A_44 = arith.constant 0 : i32
        %add3A_45 = arith.addi %add3A_44, %mul3A_43 : i32
        %broadcast_in_dim3A_46 = arith.constant 0.000000e+00 : f32
        %broadcast_in_dim3A_47 = vector.broadcast %broadcast_in_dim3A_46 : f32 to vector<16xf32>
        %swap3A_48 = arith.index_cast %add3A_30 : i32 to index
        %swap3A_49 = arith.index_cast %add3A_45 : i32 to index
        %swap3A_50 = tpu.vector_load %arg8[%swap3A_48, %swap3A_49] {strides = array<i32>} : memref<80x128xf32, #tpu.memory_space<vmem>>, vector<1x16xf32>,
        %swap3A_51 = vector.shape_cast %swap3A_50 : vector<1x16xf32> to vector<16xf32>
        %swap3A_52 = vector.shape_cast %broadcast_in_dim3A_47 : vector<16xf32> to vector<1x16xf32>
        tpu.vector_store %arg8[%swap3A_48, %swap3A_49], %swap3A_52 {strides = array<i32>} : memref<80x128xf32, #tpu.memory_space<vmem>>, vector<1x16xf32>,
      }
      %scan3A_35 = arith.constant 8 : i32
      %broadcast_in_dim3A = arith.constant 0.000000e+00 : f32
      %broadcast_in_dim3A_36 = vector.broadcast %broadcast_in_dim3A : f32 to vector<16xf32>
      %swap3A = arith.index_cast %add3A_30 : i32 to index
      %swap3A_37 = arith.constant 0 : index
      %swap3A_38 = tpu.vector_load %arg9[%swap3A, %swap3A_37] {strides = array<i32>} : memref<80x16xf32, #tpu.memory_space<vmem>>, vector<1x16xf32>,
      %swap3A_39 = vector.shape_cast %swap3A_38 : vector<1x16xf32> to vector<16xf32>
      %swap3A_40 = vector.shape_cast %broadcast_in_dim3A_36 : vector<16xf32> to vector<1x16xf32>
      tpu.vector_store %arg9[%swap3A, %swap3A_37], %swap3A_40 {strides = array<i32>} : memref<80x16xf32, #tpu.memory_space<vmem>>, vector<1x16xf32>,
    }
    %scan3A_3 = arith.constant 80 : i32
    %scan3A_4 = arith.constant 0 : i32
    %scan3A_5 = arith.constant 8 : i32
    %scan3A_6 = arith.addi %scan3A_4, %scan3A_5 : i32
    %scan3A_7 = arith.constant 1 : i32
    scf.for %scan3A_26 = %scan3A_4 to %scan3A_6 step %scan3A_7  : i32 {
      %mul3A_27 = arith.constant 80 : i32
      %mul3A_28 = arith.muli %scan3A_26, %mul3A_27 : i32
      %add3A_29 = arith.constant 0 : i32
      %add3A_30 = arith.addi %add3A_29, %mul3A_28 : i32
      %mul3A_31 = arith.constant 640 : i32
      %mul3A_32 = arith.muli %arg1, %mul3A_31 : i32
      %add3A_33 = arith.addi %mul3A_32, %add3A_30 : i32
      "tpu.region"() ({
        %run_scoped3A = tpu.sem_alloc : memref<!tpu.dma_semaphore, #tpu.memory_space<semaphore_mem>>
        %dma_start3A = arith.constant 0 : i32
        %dma_start3A_37 = tpu.memref_slice %arg12[%add3A_33, %dma_start3A] : memref<10240x128xf32, #tpu.memory_space<vmem_shared>> -> memref<80x128xf32, #tpu.memory_space<vmem_shared>>
        %dma_start3A_38 = arith.constant 0 : i32
        %dma_start3A_39 = tpu.memref_slice %arg12[%add3A_33, %dma_start3A_38] : memref<10240x128xf32, #tpu.memory_space<vmem_shared>> -> memref<80x128xf32, #tpu.memory_space<vmem_shared>>
        tpu.enqueue_dma source(%arg8 : memref<80x128xf32, #tpu.memory_space<vmem>>) target(%dma_start3A_39 : memref<80x128xf32, #tpu.memory_space<vmem_shared>>) target_semaphore(%run_scoped3A : memref<!tpu.dma_semaphore, #tpu.memory_space<semaphore_mem>>)
        %dma_wait3A = arith.constant 0 : i32
        %dma_wait3A_40 = tpu.memref_slice %arg12[%add3A_33, %dma_wait3A] : memref<10240x128xf32, #tpu.memory_space<vmem_shared>> -> memref<80x128xf32, #tpu.memory_space<vmem_shared>>
        %dma_wait3A_41 = arith.constant 0 : i32
        %dma_wait3A_42 = tpu.memref_slice %arg12[%add3A_33, %dma_wait3A_41] : memref<10240x128xf32, #tpu.memory_space<vmem_shared>> -> memref<80x128xf32, #tpu.memory_space<vmem_shared>>
        tpu.wait_dma2 semaphore(%run_scoped3A : memref<!tpu.dma_semaphore, #tpu.memory_space<semaphore_mem>>) src(%arg8 : memref<80x128xf32, #tpu.memory_space<vmem>>) dst(%dma_wait3A_42 : memref<80x128xf32, #tpu.memory_space<vmem_shared>>)
        tpu.yield
      }) : () -> ()
      %mul3A_34 = arith.constant 640 : i32
      %mul3A_35 = arith.muli %arg1, %mul3A_34 : i32
      %add3A_36 = arith.addi %mul3A_35, %add3A_30 : i32
      "tpu.region"() ({
        %run_scoped3A = tpu.sem_alloc : memref<!tpu.dma_semaphore, #tpu.memory_space<semaphore_mem>>
        %dma_start3A = arith.constant 0 : i32
        %dma_start3A_37 = tpu.memref_slice %arg13[%add3A_36, %dma_start3A] : memref<10240x16xf32, #tpu.memory_space<vmem_shared>> -> memref<80x16xf32, #tpu.memory_space<vmem_shared>>
        %dma_start3A_38 = arith.constant 0 : i32
        %dma_start3A_39 = tpu.memref_slice %arg13[%add3A_36, %dma_start3A_38] : memref<10240x16xf32, #tpu.memory_space<vmem_shared>> -> memref<80x16xf32, #tpu.memory_space<vmem_shared>>
        tpu.enqueue_dma source(%arg9 : memref<80x16xf32, #tpu.memory_space<vmem>>) target(%dma_start3A_39 : memref<80x16xf32, #tpu.memory_space<vmem_shared>>) target_semaphore(%run_scoped3A : memref<!tpu.dma_semaphore, #tpu.memory_space<semaphore_mem>>)
        %dma_wait3A = arith.constant 0 : i32
        %dma_wait3A_40 = tpu.memref_slice %arg13[%add3A_36, %dma_wait3A] : memref<10240x16xf32, #tpu.memory_space<vmem_shared>> -> memref<80x16xf32, #tpu.memory_space<vmem_shared>>
        %dma_wait3A_41 = arith.constant 0 : i32
        %dma_wait3A_42 = tpu.memref_slice %arg13[%add3A_36, %dma_wait3A_41] : memref<10240x16xf32, #tpu.memory_space<vmem_shared>> -> memref<80x16xf32, #tpu.memory_space<vmem_shared>>
        tpu.wait_dma2 semaphore(%run_scoped3A : memref<!tpu.dma_semaphore, #tpu.memory_space<semaphore_mem>>) src(%arg9 : memref<80x16xf32, #tpu.memory_space<vmem>>) dst(%dma_wait3A_42 : memref<80x16xf32, #tpu.memory_space<vmem_shared>>)
        tpu.yield
      }) : () -> ()
    }
    %scan3A_8 = arith.constant 8 : i32
    %barrier3A = arith.constant 0 : index
    tpu.barrier barrier_id(%barrier3A)
    %mul3A = arith.constant 2 : i32
    %mul3A_9 = arith.muli %arg1, %mul3A : i32
    %add3A = arith.addi %mul3A_9, %arg0 : i32
    %mul3A_10 = arith.constant 10000 : i32
    %mul3A_11 = arith.muli %add3A, %mul3A_10 : i32
    %scan3A_12 = arith.constant 0 : i32
    %scan3A_13 = arith.constant 125 : i32
    %scan3A_14 = arith.addi %scan3A_12, %scan3A_13 : i32
    %scan3A_15 = arith.constant 1 : i32
    scf.for %scan3A_26 = %scan3A_12 to %scan3A_14 step %scan3A_15  : i32 {
      %mul3A_27 = arith.constant 1 : i32
      %mul3A_28 = arith.muli %scan3A_26, %mul3A_27 : i32
      %add3A_29 = arith.constant 0 : i32
      %add3A_30 = arith.addi %add3A_29, %mul3A_28 : i32
      %mul3A_31 = arith.constant 80 : i32
      %mul3A_32 = arith.muli %add3A_30, %mul3A_31 : i32
      %add3A_33 = arith.addi %mul3A_11, %mul3A_32 : i32
      %dma_start3A = arith.constant 0 : i32
      %dma_start3A_34 = tpu.memref_slice %arg2[%add3A_33, %dma_start3A] : memref<320000x128xf32, #tpu.memory_space<hbm>> -> memref<80x128xf32, #tpu.memory_space<hbm>>
      %dma_start3A_35 = arith.constant 0 : i32
      %dma_start3A_36 = tpu.memref_slice %arg2[%add3A_33, %dma_start3A_35] : memref<320000x128xf32, #tpu.memory_space<hbm>> -> memref<80x128xf32, #tpu.memory_space<hbm>>
      tpu.enqueue_dma source(%dma_start3A_36 : memref<80x128xf32, #tpu.memory_space<hbm>>) target(%arg8 : memref<80x128xf32, #tpu.memory_space<vmem>>) target_semaphore(%arg14 : memref<!tpu.dma_semaphore, #tpu.memory_space<semaphore_mem>>)
      %dma_start3A_37 = arith.constant 0 : i32
      %dma_start3A_38 = tpu.memref_slice %arg3[%add3A_33, %dma_start3A_37] : memref<320000x128xf32, #tpu.memory_space<hbm>> -> memref<80x16xf32, #tpu.memory_space<hbm>>
      %dma_start3A_39 = arith.constant 0 : i32
      %dma_start3A_40 = tpu.memref_slice %arg3[%add3A_33, %dma_start3A_39] : memref<320000x128xf32, #tpu.memory_space<hbm>> -> memref<80x16xf32, #tpu.memory_space<hbm>>
      tpu.enqueue_dma source(%dma_start3A_40 : memref<80x16xf32, #tpu.memory_space<hbm>>) target(%arg9 : memref<80x16xf32, #tpu.memory_space<vmem>>) target_semaphore(%arg15 : memref<!tpu.dma_semaphore, #tpu.memory_space<semaphore_mem>>)
      %dma_start3A_41 = arith.constant 0 : i32
      %dma_start3A_42 = arith.constant 0 : i32
      %dma_start3A_43 = tpu.memref_slice %arg7[%dma_start3A_41, %dma_start3A_42] : memref<2x80xi32, #tpu.memory_space<vmem>> -> memref<1x80xi32, #tpu.memory_space<vmem>>
      %dma_start3A_44 = tpu.memref_squeeze %dma_start3A_43 : memref<1x80xi32, #tpu.memory_space<vmem>> -> memref<80xi32, #tpu.memory_space<vmem>>
      %dma_start3A_45 = arith.constant 0 : i32
      %dma_start3A_46 = tpu.memref_slice %arg4[%add3A, %add3A_30, %dma_start3A_45] : memref<32x125x80xi32, #tpu.memory_space<hbm>> -> memref<1x1x80xi32, #tpu.memory_space<hbm>>
      %dma_start3A_47 = tpu.memref_squeeze %dma_start3A_46 : memref<1x1x80xi32, #tpu.memory_space<hbm>> -> memref<80xi32, #tpu.memory_space<hbm>>
      %dma_start3A_48 = arith.constant 0 : i32
      %dma_start3A_49 = tpu.memref_slice %arg7[%dma_start3A_41, %dma_start3A_48] : memref<2x80xi32, #tpu.memory_space<vmem>> -> memref<1x80xi32, #tpu.memory_space<vmem>>
      %dma_start3A_50 = tpu.memref_squeeze %dma_start3A_49 : memref<1x80xi32, #tpu.memory_space<vmem>> -> memref<80xi32, #tpu.memory_space<vmem>>
      %dma_start3A_51 = arith.constant 0 : i32
      %dma_start3A_52 = tpu.memref_slice %arg4[%add3A, %add3A_30, %dma_start3A_51] : memref<32x125x80xi32, #tpu.memory_space<hbm>> -> memref<1x1x80xi32, #tpu.memory_space<hbm>>
      %dma_start3A_53 = tpu.memref_squeeze %dma_start3A_52 : memref<1x1x80xi32, #tpu.memory_space<hbm>> -> memref<80xi32, #tpu.memory_space<hbm>>
      tpu.enqueue_dma source(%dma_start3A_53 : memref<80xi32, #tpu.memory_space<hbm>>) target(%dma_start3A_50 : memref<80xi32, #tpu.memory_space<vmem>>) target_semaphore(%arg16 : memref<!tpu.dma_semaphore, #tpu.memory_space<semaphore_mem>>)
      %dma_wait3A = arith.constant 0 : i32
      %dma_wait3A_54 = tpu.memref_slice %arg2[%add3A_33, %dma_wait3A] : memref<320000x128xf32, #tpu.memory_space<hbm>> -> memref<80x128xf32, #tpu.memory_space<hbm>>
      %dma_wait3A_55 = arith.constant 0 : i32
      %dma_wait3A_56 = tpu.memref_slice %arg2[%add3A_33, %dma_wait3A_55] : memref<320000x128xf32, #tpu.memory_space<hbm>> -> memref<80x128xf32, #tpu.memory_space<hbm>>
      tpu.wait_dma2 semaphore(%arg14 : memref<!tpu.dma_semaphore, #tpu.memory_space<semaphore_mem>>) src(%dma_wait3A_56 : memref<80x128xf32, #tpu.memory_space<hbm>>) dst(%arg8 : memref<80x128xf32, #tpu.memory_space<vmem>>)
      %dma_wait3A_57 = arith.constant 0 : i32
      %dma_wait3A_58 = tpu.memref_slice %arg3[%add3A_33, %dma_wait3A_57] : memref<320000x128xf32, #tpu.memory_space<hbm>> -> memref<80x16xf32, #tpu.memory_space<hbm>>
      %dma_wait3A_59 = arith.constant 0 : i32
      %dma_wait3A_60 = tpu.memref_slice %arg3[%add3A_33, %dma_wait3A_59] : memref<320000x128xf32, #tpu.memory_space<hbm>> -> memref<80x16xf32, #tpu.memory_space<hbm>>
      tpu.wait_dma2 semaphore(%arg15 : memref<!tpu.dma_semaphore, #tpu.memory_space<semaphore_mem>>) src(%dma_wait3A_60 : memref<80x16xf32, #tpu.memory_space<hbm>>) dst(%arg9 : memref<80x16xf32, #tpu.memory_space<vmem>>)
      %dma_wait3A_61 = arith.constant 0 : i32
      %dma_wait3A_62 = arith.constant 0 : i32
      %dma_wait3A_63 = tpu.memref_slice %arg7[%dma_wait3A_61, %dma_wait3A_62] : memref<2x80xi32, #tpu.memory_space<vmem>> -> memref<1x80xi32, #tpu.memory_space<vmem>>
      %dma_wait3A_64 = tpu.memref_squeeze %dma_wait3A_63 : memref<1x80xi32, #tpu.memory_space<vmem>> -> memref<80xi32, #tpu.memory_space<vmem>>
      %dma_wait3A_65 = arith.constant 0 : i32
      %dma_wait3A_66 = tpu.memref_slice %arg4[%add3A, %add3A_30, %dma_wait3A_65] : memref<32x125x80xi32, #tpu.memory_space<hbm>> -> memref<1x1x80xi32, #tpu.memory_space<hbm>>
      %dma_wait3A_67 = tpu.memref_squeeze %dma_wait3A_66 : memref<1x1x80xi32, #tpu.memory_space<hbm>> -> memref<80xi32, #tpu.memory_space<hbm>>
      %dma_wait3A_68 = arith.constant 0 : i32
      %dma_wait3A_69 = tpu.memref_slice %arg7[%dma_wait3A_61, %dma_wait3A_68] : memref<2x80xi32, #tpu.memory_space<vmem>> -> memref<1x80xi32, #tpu.memory_space<vmem>>
      %dma_wait3A_70 = tpu.memref_squeeze %dma_wait3A_69 : memref<1x80xi32, #tpu.memory_space<vmem>> -> memref<80xi32, #tpu.memory_space<vmem>>
      %dma_wait3A_71 = arith.constant 0 : i32
      %dma_wait3A_72 = tpu.memref_slice %arg4[%add3A, %add3A_30, %dma_wait3A_71] : memref<32x125x80xi32, #tpu.memory_space<hbm>> -> memref<1x1x80xi32, #tpu.memory_space<hbm>>
      %dma_wait3A_73 = tpu.memref_squeeze %dma_wait3A_72 : memref<1x1x80xi32, #tpu.memory_space<hbm>> -> memref<80xi32, #tpu.memory_space<hbm>>
      tpu.wait_dma2 semaphore(%arg16 : memref<!tpu.dma_semaphore, #tpu.memory_space<semaphore_mem>>) src(%dma_wait3A_73 : memref<80xi32, #tpu.memory_space<hbm>>) dst(%dma_wait3A_70 : memref<80xi32, #tpu.memory_space<vmem>>)
      %run_scoped3A = arith.constant 0 : i32
      "tpu.region"() ({
        %run_scoped3A_75 = tpu.sem_alloc : memref<!tpu.dma_semaphore, #tpu.memory_space<semaphore_mem>>
        %dma_start3A_76 = arith.constant 0 : i32
        %dma_start3A_77 = tpu.memref_slice %arg7[%run_scoped3A, %dma_start3A_76] : memref<2x80xi32, #tpu.memory_space<vmem>> -> memref<1x80xi32, #tpu.memory_space<vmem>>
        %dma_start3A_78 = tpu.memref_squeeze %dma_start3A_77 : memref<1x80xi32, #tpu.memory_space<vmem>> -> memref<80xi32, #tpu.memory_space<vmem>>
        %dma_start3A_79 = arith.constant 0 : i32
        %dma_start3A_80 = arith.constant 0 : i32
        %dma_start3A_81 = tpu.memref_slice %arg12[%dma_start3A_79, %dma_start3A_80] : memref<10240x128xf32, #tpu.memory_space<vmem_shared>> -> memref<10240x128xf32, #tpu.memory_space<vmem_shared>>
        tpu.enqueue_indirect_dma source(%arg8 : memref<80x128xf32, #tpu.memory_space<vmem>>) target(%dma_start3A_81 : memref<10240x128xf32, #tpu.memory_space<vmem_shared>>) offsets(%dma_start3A_78 : memref<80xi32, #tpu.memory_space<vmem>>) semaphore(%run_scoped3A_75 : memref<!tpu.dma_semaphore, #tpu.memory_space<semaphore_mem>>) {add = true}
        %dma_wait3A_82 = arith.constant 0 : i32
        %dma_wait3A_83 = tpu.memref_slice %arg7[%run_scoped3A, %dma_wait3A_82] : memref<2x80xi32, #tpu.memory_space<vmem>> -> memref<1x80xi32, #tpu.memory_space<vmem>>
        %dma_wait3A_84 = tpu.memref_squeeze %dma_wait3A_83 : memref<1x80xi32, #tpu.memory_space<vmem>> -> memref<80xi32, #tpu.memory_space<vmem>>
        %dma_wait3A_85 = arith.constant 0 : i32
        %dma_wait3A_86 = arith.constant 0 : i32
        %dma_wait3A_87 = tpu.memref_slice %arg12[%dma_wait3A_85, %dma_wait3A_86] : memref<10240x128xf32, #tpu.memory_space<vmem_shared>> -> memref<10240x128xf32, #tpu.memory_space<vmem_shared>>
        tpu.wait_indirect_dma semaphore(%run_scoped3A_75 : memref<!tpu.dma_semaphore, #tpu.memory_space<semaphore_mem>>) src(%arg8 : memref<80x128xf32, #tpu.memory_space<vmem>>) dst(%dma_wait3A_87 : memref<10240x128xf32, #tpu.memory_space<vmem_shared>>)
        tpu.yield
      }) : () -> ()
      %run_scoped3A_74 = arith.constant 0 : i32
      "tpu.region"() ({
        %run_scoped3A_75 = tpu.sem_alloc : memref<!tpu.dma_semaphore, #tpu.memory_space<semaphore_mem>>
        %dma_start3A_76 = arith.constant 0 : i32
        %dma_start3A_77 = tpu.memref_slice %arg7[%run_scoped3A_74, %dma_start3A_76] : memref<2x80xi32, #tpu.memory_space<vmem>> -> memref<1x80xi32, #tpu.memory_space<vmem>>
        %dma_start3A_78 = tpu.memref_squeeze %dma_start3A_77 : memref<1x80xi32, #tpu.memory_space<vmem>> -> memref<80xi32, #tpu.memory_space<vmem>>
        %dma_start3A_79 = arith.constant 0 : i32
        %dma_start3A_80 = arith.constant 0 : i32
        %dma_start3A_81 = tpu.memref_slice %arg13[%dma_start3A_79, %dma_start3A_80] : memref<10240x16xf32, #tpu.memory_space<vmem_shared>> -> memref<10240x16xf32, #tpu.memory_space<vmem_shared>>
        tpu.enqueue_indirect_dma source(%arg9 : memref<80x16xf32, #tpu.memory_space<vmem>>) target(%dma_start3A_81 : memref<10240x16xf32, #tpu.memory_space<vmem_shared>>) offsets(%dma_start3A_78 : memref<80xi32, #tpu.memory_space<vmem>>) semaphore(%run_scoped3A_75 : memref<!tpu.dma_semaphore, #tpu.memory_space<semaphore_mem>>) {add = true}
        %dma_wait3A_82 = arith.constant 0 : i32
        %dma_wait3A_83 = tpu.memref_slice %arg7[%run_scoped3A_74, %dma_wait3A_82] : memref<2x80xi32, #tpu.memory_space<vmem>> -> memref<1x80xi32, #tpu.memory_space<vmem>>
        %dma_wait3A_84 = tpu.memref_squeeze %dma_wait3A_83 : memref<1x80xi32, #tpu.memory_space<vmem>> -> memref<80xi32, #tpu.memory_space<vmem>>
        %dma_wait3A_85 = arith.constant 0 : i32
        %dma_wait3A_86 = arith.constant 0 : i32
        %dma_wait3A_87 = tpu.memref_slice %arg13[%dma_wait3A_85, %dma_wait3A_86] : memref<10240x16xf32, #tpu.memory_space<vmem_shared>> -> memref<10240x16xf32, #tpu.memory_space<vmem_shared>>
        tpu.wait_indirect_dma semaphore(%run_scoped3A_75 : memref<!tpu.dma_semaphore, #tpu.memory_space<semaphore_mem>>) src(%arg9 : memref<80x16xf32, #tpu.memory_space<vmem>>) dst(%dma_wait3A_87 : memref<10240x16xf32, #tpu.memory_space<vmem_shared>>)
        tpu.yield
      }) : () -> ()
    }
    %scan3A_16 = arith.constant 125 : i32
    %barrier3A_17 = arith.constant 0 : index
    tpu.barrier barrier_id(%barrier3A_17)
    %mul3A_18 = arith.constant 640 : i32
    %mul3A_19 = arith.muli %arg1, %mul3A_18 : i32
    %mul3A_20 = arith.constant 640 : i32
    %mul3A_21 = arith.muli %arg1, %mul3A_20 : i32
    "tpu.region"() ({
      %run_scoped3A = tpu.sem_alloc : memref<!tpu.dma_semaphore, #tpu.memory_space<semaphore_mem>>
      %dma_start3A = arith.constant 0 : i32
      %dma_start3A_26 = tpu.memref_slice %arg5[%arg0, %mul3A_21, %dma_start3A] : memref<2x10240x128xf32, #tpu.memory_space<hbm>> -> memref<1x640x128xf32, #tpu.memory_space<hbm>>
      %dma_start3A_27 = tpu.memref_squeeze %dma_start3A_26 : memref<1x640x128xf32, #tpu.memory_space<hbm>> -> memref<640x128xf32, #tpu.memory_space<hbm>>
      %dma_start3A_28 = arith.constant 0 : i32
      %dma_start3A_29 = tpu.memref_slice %arg12[%mul3A_19, %dma_start3A_28] : memref<10240x128xf32, #tpu.memory_space<vmem_shared>> -> memref<640x128xf32, #tpu.memory_space<vmem_shared>>
      tpu.enqueue_dma source(%dma_start3A_29 : memref<640x128xf32, #tpu.memory_space<vmem_shared>>) target(%dma_start3A_27 : memref<640x128xf32, #tpu.memory_space<hbm>>) target_semaphore(%run_scoped3A : memref<!tpu.dma_semaphore, #tpu.memory_space<semaphore_mem>>)
      %dma_wait3A = arith.constant 0 : i32
      %dma_wait3A_30 = tpu.memref_slice %arg5[%arg0, %mul3A_21, %dma_wait3A] : memref<2x10240x128xf32, #tpu.memory_space<hbm>> -> memref<1x640x128xf32, #tpu.memory_space<hbm>>
      %dma_wait3A_31 = tpu.memref_squeeze %dma_wait3A_30 : memref<1x640x128xf32, #tpu.memory_space<hbm>> -> memref<640x128xf32, #tpu.memory_space<hbm>>
      %dma_wait3A_32 = arith.constant 0 : i32
      %dma_wait3A_33 = tpu.memref_slice %arg12[%mul3A_19, %dma_wait3A_32] : memref<10240x128xf32, #tpu.memory_space<vmem_shared>> -> memref<640x128xf32, #tpu.memory_space<vmem_shared>>
      tpu.wait_dma2 semaphore(%run_scoped3A : memref<!tpu.dma_semaphore, #tpu.memory_space<semaphore_mem>>) src(%dma_wait3A_33 : memref<640x128xf32, #tpu.memory_space<vmem_shared>>) dst(%dma_wait3A_31 : memref<640x128xf32, #tpu.memory_space<hbm>>)
      tpu.yield
    }) : () -> ()
    %mul3A_22 = arith.constant 640 : i32
    %mul3A_23 = arith.muli %arg1, %mul3A_22 : i32
    %mul3A_24 = arith.constant 640 : i32
    %mul3A_25 = arith.muli %arg1, %mul3A_24 : i32
    "tpu.region"() ({
      %run_scoped3A = tpu.sem_alloc : memref<!tpu.dma_semaphore, #tpu.memory_space<semaphore_mem>>
      %dma_start3A = arith.constant 0 : i32
      %dma_start3A_26 = tpu.memref_slice %arg6[%arg0, %mul3A_25, %dma_start3A] : memref<2x10240x128xf32, #tpu.memory_space<hbm>> -> memref<1x640x16xf32, #tpu.memory_space<hbm>>
      %dma_start3A_27 = tpu.memref_squeeze %dma_start3A_26 : memref<1x640x16xf32, #tpu.memory_space<hbm>> -> memref<640x16xf32, #tpu.memory_space<hbm>>
      %dma_start3A_28 = arith.constant 0 : i32
      %dma_start3A_29 = tpu.memref_slice %arg13[%mul3A_23, %dma_start3A_28] : memref<10240x16xf32, #tpu.memory_space<vmem_shared>> -> memref<640x16xf32, #tpu.memory_space<vmem_shared>>
      tpu.enqueue_dma source(%dma_start3A_29 : memref<640x16xf32, #tpu.memory_space<vmem_shared>>) target(%dma_start3A_27 : memref<640x16xf32, #tpu.memory_space<hbm>>) target_semaphore(%run_scoped3A : memref<!tpu.dma_semaphore, #tpu.memory_space<semaphore_mem>>)
      %dma_wait3A = arith.constant 0 : i32
      %dma_wait3A_30 = tpu.memref_slice %arg6[%arg0, %mul3A_25, %dma_wait3A] : memref<2x10240x128xf32, #tpu.memory_space<hbm>> -> memref<1x640x16xf32, #tpu.memory_space<hbm>>
      %dma_wait3A_31 = tpu.memref_squeeze %dma_wait3A_30 : memref<1x640x16xf32, #tpu.memory_space<hbm>> -> memref<640x16xf32, #tpu.memory_space<hbm>>
      %dma_wait3A_32 = arith.constant 0 : i32
      %dma_wait3A_33 = tpu.memref_slice %arg13[%mul3A_23, %dma_wait3A_32] : memref<10240x16xf32, #tpu.memory_space<vmem_shared>> -> memref<640x16xf32, #tpu.memory_space<vmem_shared>>
      tpu.wait_dma2 semaphore(%run_scoped3A : memref<!tpu.dma_semaphore, #tpu.memory_space<semaphore_mem>>) src(%dma_wait3A_33 : memref<640x16xf32, #tpu.memory_space<vmem_shared>>) dst(%dma_wait3A_31 : memref<640x16xf32, #tpu.memory_space<hbm>>)
      tpu.yield
    }) : () -> ()
    return
  }
}

module attributes {stable_mosaic.version = 14 : i64} {
  func.func @_prep_body(%arg0: i32, %arg1: memref<1000x128xf32, #tpu.memory_space<vmem>>, %arg2: memref<128x128xf32, #tpu.memory_space<vmem>>, %arg3: memref<128x128xf32, #tpu.memory_space<vmem>>, %arg4: memref<1x128xf32, #tpu.memory_space<vmem>>, %arg5: memref<1000x128xf32, #tpu.memory_space<vmem>>, %arg6: memref<1000x128xf32, #tpu.memory_space<vmem>>) attributes {dimension_semantics = [#tpu.dimension_semantics<arbitrary>], iteration_bounds = array<i64: 10>, scalar_prefetch = 0 : i64, scratch_operands = 0 : i64, tpu.core_type = #tpu.core_type<tc>, window_params = [{transform_indices = @transform_0, window_bounds = array<i64: 1000, 128>}, {pipeline_mode = #tpu.pipeline_mode<synchronous>, transform_indices = @transform_1, window_bounds = array<i64: 128, 128>}, {pipeline_mode = #tpu.pipeline_mode<synchronous>, transform_indices = @transform_2, window_bounds = array<i64: 128, 128>}, {pipeline_mode = #tpu.pipeline_mode<synchronous>, transform_indices = @transform_3, window_bounds = array<i64: 1, 128>}, {transform_indices = @transform_4, window_bounds = array<i64: 1000, 128>}, {transform_indices = @transform_5, window_bounds = array<i64: 1000, 128>}]} {
    %get3A = arith.constant 0 : index
    %get3A_0 = arith.constant 0 : index
    %get3A_1 = vector.load %arg1[%get3A, %get3A_0] : memref<1000x128xf32, #tpu.memory_space<vmem>>, vector<1000x128xf32>
    %get3A_2 = arith.constant 0 : index
    %get3A_3 = arith.constant 0 : index
    %get3A_4 = vector.load %arg2[%get3A_2, %get3A_3] : memref<128x128xf32, #tpu.memory_space<vmem>>, vector<128x128xf32>
    %dot_general3A = arith.constant dense<0.000000e+00> : vector<1000x128xf32>
    %dot_general3A_5 = tpu.matmul %get3A_1, %get3A_4, %dot_general3A {dimension_numbers = #tpu.dot_dimension_numbers<[1], [0], [0], [1], [0, 0, 1, 1], [], []>, transpose_lhs_hint = false} : vector<1000x128xf32>, vector<128x128xf32>, vector<1000x128xf32> -> vector<1000x128xf32>
    %get3A_6 = arith.constant 0 : index
    %get3A_7 = arith.constant 0 : index
    %get3A_8 = vector.load %arg4[%get3A_6, %get3A_7] : memref<1x128xf32, #tpu.memory_space<vmem>>, vector<1x128xf32>
    %add3A = vector.broadcast %get3A_8 : vector<1x128xf32> to vector<1000x128xf32>
    %add3A_9 = arith.addf %dot_general3A_5, %add3A : vector<1000x128xf32>
    %swap3A = arith.constant 0 : index
    %swap3A_10 = arith.constant 0 : index
    %swap3A_11 = vector.load %arg5[%swap3A, %swap3A_10] : memref<1000x128xf32, #tpu.memory_space<vmem>>, vector<1000x128xf32>
    tpu.vector_store %arg5[%swap3A, %swap3A_10], %add3A_9 {strides = array<i32>} : memref<1000x128xf32, #tpu.memory_space<vmem>>, vector<1000x128xf32>,
    %get3A_12 = arith.constant 0 : index
    %get3A_13 = arith.constant 0 : index
    %get3A_14 = vector.load %arg3[%get3A_12, %get3A_13] : memref<128x128xf32, #tpu.memory_space<vmem>>, vector<128x128xf32>
    %dot_general3A_15 = arith.constant dense<0.000000e+00> : vector<1000x128xf32>
    %dot_general3A_16 = tpu.matmul %get3A_1, %get3A_14, %dot_general3A_15 {dimension_numbers = #tpu.dot_dimension_numbers<[1], [0], [0], [1], [0, 0, 1, 1], [], []>, transpose_lhs_hint = false} : vector<1000x128xf32>, vector<128x128xf32>, vector<1000x128xf32> -> vector<1000x128xf32>
    %swap3A_17 = arith.constant 0 : index
    %swap3A_18 = arith.constant 0 : index
    %swap3A_19 = vector.load %arg6[%swap3A_17, %swap3A_18] : memref<1000x128xf32, #tpu.memory_space<vmem>>, vector<1000x128xf32>
    tpu.vector_store %arg6[%swap3A_17, %swap3A_18], %dot_general3A_16 {strides = array<i32>} : memref<1000x128xf32, #tpu.memory_space<vmem>>, vector<1000x128xf32>,
    return
  }
  func.func @transform_0(%arg0: i32) -> (i32, i32) {
    %c0_i32 = arith.constant 0 : i32
    %c0_i32_0 = arith.constant 0 : i32
    return %arg0, %c0_i32 : i32, i32
  }
  func.func @transform_1(%arg0: i32) -> (i32, i32) {
    %c0_i32 = arith.constant 0 : i32
    %c0_i32_0 = arith.constant 0 : i32
    %c0_i32_1 = arith.constant 0 : i32
    return %c0_i32, %c0_i32_0 : i32, i32
  }
  func.func @transform_2(%arg0: i32) -> (i32, i32) {
    %c0_i32 = arith.constant 0 : i32
    %c0_i32_0 = arith.constant 0 : i32
    %c0_i32_1 = arith.constant 0 : i32
    return %c0_i32, %c0_i32_0 : i32, i32
  }
  func.func @transform_3(%arg0: i32) -> (i32, i32) {
    %c0_i32 = arith.constant 0 : i32
    %c0_i32_0 = arith.constant 0 : i32
    %c0_i32_1 = arith.constant 0 : i32
    return %c0_i32, %c0_i32_0 : i32, i32
  }
  func.func @transform_4(%arg0: i32) -> (i32, i32) {
    %c0_i32 = arith.constant 0 : i32
    %c0_i32_0 = arith.constant 0 : i32
    return %arg0, %c0_i32 : i32, i32
  }
  func.func @transform_5(%arg0: i32) -> (i32, i32) {
    %c0_i32 = arith.constant 0 : i32
    %c0_i32_0 = arith.constant 0 : i32
    return %arg0, %c0_i32 : i32, i32
  }
}

module attributes {stable_mosaic.version = 14 : i64} {
  func.func @_edge_body(%arg0: i32, %arg1: memref<2560x128xf32, #tpu.memory_space<vmem>>, %arg2: memref<2560x128xf32, #tpu.memory_space<vmem>>, %arg3: memref<2560x128xf32, #tpu.memory_space<vmem>>, %arg4: memref<2560x128xf32, #tpu.memory_space<vmem>>, %arg5: memref<2560x4xf32, #tpu.memory_space<vmem>>, %arg6: memref<4x128xf32, #tpu.memory_space<vmem>>, %arg7: memref<1x128xf32, #tpu.memory_space<vmem>>, %arg8: memref<128x128xf32, #tpu.memory_space<vmem>>, %arg9: memref<1x128xf32, #tpu.memory_space<vmem>>, %arg10: memref<128x128xf32, #tpu.memory_space<vmem>>, %arg11: memref<1x128xf32, #tpu.memory_space<vmem>>, %arg12: memref<1x128xf32, #tpu.memory_space<vmem>>, %arg13: memref<1x1xf32, #tpu.memory_space<vmem>>, %arg14: memref<2560x128xf32, #tpu.memory_space<vmem>>, %arg15: memref<2560x128xf32, #tpu.memory_space<vmem>>) attributes {dimension_semantics = [#tpu.dimension_semantics<arbitrary>], iteration_bounds = array<i64: 125>, scalar_prefetch = 0 : i64, scratch_operands = 0 : i64, tpu.core_type = #tpu.core_type<tc>, window_params = [{transform_indices = @transform_0, window_bounds = array<i64: 2560, 128>}, {transform_indices = @transform_1, window_bounds = array<i64: 2560, 128>}, {transform_indices = @transform_2, window_bounds = array<i64: 2560, 128>}, {transform_indices = @transform_3, window_bounds = array<i64: 2560, 128>}, {transform_indices = @transform_4, window_bounds = array<i64: 2560, 4>}, {pipeline_mode = #tpu.pipeline_mode<synchronous>, transform_indices = @transform_5, window_bounds = array<i64: 4, 128>}, {pipeline_mode = #tpu.pipeline_mode<synchronous>, transform_indices = @transform_6, window_bounds = array<i64: 1, 128>}, {pipeline_mode = #tpu.pipeline_mode<synchronous>, transform_indices = @transform_7, window_bounds = array<i64: 128, 128>}, {pipeline_mode = #tpu.pipeline_mode<synchronous>, transform_indices = @transform_8, window_bounds = array<i64: 1, 128>}, {pipeline_mode = #tpu.pipeline_mode<synchronous>, transform_indices = @transform_9, window_bounds = array<i64: 128, 128>}, {pipeline_mode = #tpu.pipeline_mode<synchronous>, transform_indices = @transform_10, window_bounds = array<i64: 1, 128>}, {pipeline_mode = #tpu.pipeline_mode<synchronous>, transform_indices = @transform_11, window_bounds = array<i64: 1, 128>}, {pipeline_mode = #tpu.pipeline_mode<synchronous>, transform_indices = @transform_12, window_bounds = array<i64: 1, 1>}, {transform_indices = @transform_13, window_bounds = array<i64: 2560, 128>}, {transform_indices = @transform_14, window_bounds = array<i64: 2560, 128>}]} {
    %get3A = arith.constant 0 : index
    %get3A_0 = arith.constant 0 : index
    %get3A_1 = vector.load %arg3[%get3A, %get3A_0] : memref<2560x128xf32, #tpu.memory_space<vmem>>, vector<2560x3xf32>
    %get3A_2 = arith.constant 0 : index
    %get3A_3 = arith.constant 0 : index
    %get3A_4 = vector.load %arg4[%get3A_2, %get3A_3] : memref<2560x128xf32, #tpu.memory_space<vmem>>, vector<2560x3xf32>
    %sub3A = arith.subf %get3A_1, %get3A_4 : vector<2560x3xf32>
    %mul3A = arith.mulf %sub3A, %sub3A : vector<2560x3xf32>
    %reduce_sum3A = arith.constant dense<0.000000e+00> : vector<2560xf32>
    %reduce_sum3A_5 = vector.multi_reduction <add>, %mul3A, %reduce_sum3A [1] : vector<2560x3xf32> to vector<2560xf32>
    %broadcast_in_dim3A = vector.shape_cast %reduce_sum3A_5 : vector<2560xf32> to vector<2560x1xf32>
    %get3A_6 = arith.constant 0 : index
    %get3A_7 = arith.constant 0 : index
    %get3A_8 = vector.load %arg1[%get3A_6, %get3A_7] : memref<2560x128xf32, #tpu.memory_space<vmem>>, vector<2560x128xf32>
    %get3A_9 = arith.constant 0 : index
    %get3A_10 = arith.constant 0 : index
    %get3A_11 = vector.load %arg2[%get3A_9, %get3A_10] : memref<2560x128xf32, #tpu.memory_space<vmem>>, vector<2560x128xf32>
    %add3A = arith.addf %get3A_8, %get3A_11 : vector<2560x128xf32>
    %get3A_12 = arith.constant 0 : index
    %get3A_13 = arith.constant 0 : index
    %get3A_14 = vector.load %arg5[%get3A_12, %get3A_13] : memref<2560x4xf32, #tpu.memory_space<vmem>>, vector<2560x4xf32>
    %get3A_15 = arith.constant 0 : index
    %get3A_16 = arith.constant 0 : index
    %get3A_17 = vector.load %arg6[%get3A_15, %get3A_16] : memref<4x128xf32, #tpu.memory_space<vmem>>, vector<4x128xf32>
    %dot_general3A = arith.constant dense<0.000000e+00> : vector<2560x128xf32>
    %dot_general3A_18 = tpu.matmul %get3A_14, %get3A_17, %dot_general3A {dimension_numbers = #tpu.dot_dimension_numbers<[1], [0], [0], [1], [0, 0, 1, 1], [], []>, transpose_lhs_hint = false} : vector<2560x4xf32>, vector<4x128xf32>, vector<2560x128xf32> -> vector<2560x128xf32>
    %add3A_19 = arith.addf %add3A, %dot_general3A_18 : vector<2560x128xf32>
    %get3A_20 = arith.constant 0 : index
    %get3A_21 = arith.constant 0 : index
    %get3A_22 = vector.load %arg7[%get3A_20, %get3A_21] : memref<1x128xf32, #tpu.memory_space<vmem>>, vector<1x128xf32>
    %mul3A_23 = vector.broadcast %broadcast_in_dim3A : vector<2560x1xf32> to vector<2560x128xf32>
    %mul3A_24 = vector.broadcast %get3A_22 : vector<1x128xf32> to vector<2560x128xf32>
    %mul3A_25 = arith.mulf %mul3A_23, %mul3A_24 : vector<2560x128xf32>
    %add3A_26 = arith.addf %add3A_19, %mul3A_25 : vector<2560x128xf32>
    %logistic3A = arith.negf %add3A_26 : vector<2560x128xf32>
    %logistic3A_27 = math.exp %logistic3A : vector<2560x128xf32>
    %logistic3A_28 = arith.constant 1.000000e+00 : f32
    %logistic3A_29 = vector.broadcast %logistic3A_28 : f32 to vector<2560x128xf32>
    %logistic3A_30 = arith.addf %logistic3A_29, %logistic3A_27 : vector<2560x128xf32>
    %logistic3A_31 = arith.divf %logistic3A_29, %logistic3A_30 : vector<2560x128xf32>
    %mul3A_32 = arith.mulf %add3A_26, %logistic3A_31 : vector<2560x128xf32>
    %convert_element_type3A = arith.truncf %mul3A_32 : vector<2560x128xf32> to vector<2560x128xbf16>
    %get3A_33 = arith.constant 0 : index
    %get3A_34 = arith.constant 0 : index
    %get3A_35 = vector.load %arg8[%get3A_33, %get3A_34] : memref<128x128xf32, #tpu.memory_space<vmem>>, vector<128x128xf32>
    %convert_element_type3A_36 = arith.truncf %get3A_35 : vector<128x128xf32> to vector<128x128xbf16>
    %dot_general3A_37 = arith.constant dense<0.000000e+00> : vector<2560x128xf32>
    %dot_general3A_38 = tpu.matmul %convert_element_type3A, %convert_element_type3A_36, %dot_general3A_37 {dimension_numbers = #tpu.dot_dimension_numbers<[1], [0], [0], [1], [0, 0, 1, 1], [], []>, transpose_lhs_hint = false} : vector<2560x128xbf16>, vector<128x128xbf16>, vector<2560x128xf32> -> vector<2560x128xf32>
    %get3A_39 = arith.constant 0 : index
    %get3A_40 = arith.constant 0 : index
    %get3A_41 = vector.load %arg9[%get3A_39, %get3A_40] : memref<1x128xf32, #tpu.memory_space<vmem>>, vector<1x128xf32>
    %add3A_42 = vector.broadcast %get3A_41 : vector<1x128xf32> to vector<2560x128xf32>
    %add3A_43 = arith.addf %dot_general3A_38, %add3A_42 : vector<2560x128xf32>
    %logistic3A_44 = arith.negf %add3A_43 : vector<2560x128xf32>
    %logistic3A_45 = math.exp %logistic3A_44 : vector<2560x128xf32>
    %logistic3A_46 = arith.constant 1.000000e+00 : f32
    %logistic3A_47 = vector.broadcast %logistic3A_46 : f32 to vector<2560x128xf32>
    %logistic3A_48 = arith.addf %logistic3A_47, %logistic3A_45 : vector<2560x128xf32>
    %logistic3A_49 = arith.divf %logistic3A_47, %logistic3A_48 : vector<2560x128xf32>
    %mul3A_50 = arith.mulf %add3A_43, %logistic3A_49 : vector<2560x128xf32>
    %convert_element_type3A_51 = arith.truncf %mul3A_50 : vector<2560x128xf32> to vector<2560x128xbf16>
    %get3A_52 = arith.constant 0 : index
    %get3A_53 = arith.constant 0 : index
    %get3A_54 = vector.load %arg10[%get3A_52, %get3A_53] : memref<128x128xf32, #tpu.memory_space<vmem>>, vector<128x128xf32>
    %convert_element_type3A_55 = arith.truncf %get3A_54 : vector<128x128xf32> to vector<128x128xbf16>
    %dot_general3A_56 = arith.constant dense<0.000000e+00> : vector<2560x128xf32>
    %dot_general3A_57 = tpu.matmul %convert_element_type3A_51, %convert_element_type3A_55, %dot_general3A_56 {dimension_numbers = #tpu.dot_dimension_numbers<[1], [0], [0], [1], [0, 0, 1, 1], [], []>, transpose_lhs_hint = false} : vector<2560x128xbf16>, vector<128x128xbf16>, vector<2560x128xf32> -> vector<2560x128xf32>
    %get3A_58 = arith.constant 0 : index
    %get3A_59 = arith.constant 0 : index
    %get3A_60 = vector.load %arg11[%get3A_58, %get3A_59] : memref<1x128xf32, #tpu.memory_space<vmem>>, vector<1x128xf32>
    %add3A_61 = vector.broadcast %get3A_60 : vector<1x128xf32> to vector<2560x128xf32>
    %add3A_62 = arith.addf %dot_general3A_57, %add3A_61 : vector<2560x128xf32>
    %logistic3A_63 = arith.negf %add3A_62 : vector<2560x128xf32>
    %logistic3A_64 = math.exp %logistic3A_63 : vector<2560x128xf32>
    %logistic3A_65 = arith.constant 1.000000e+00 : f32
    %logistic3A_66 = vector.broadcast %logistic3A_65 : f32 to vector<2560x128xf32>
    %logistic3A_67 = arith.addf %logistic3A_66, %logistic3A_64 : vector<2560x128xf32>
    %logistic3A_68 = arith.divf %logistic3A_66, %logistic3A_67 : vector<2560x128xf32>
    %mul3A_69 = arith.mulf %add3A_62, %logistic3A_68 : vector<2560x128xf32>
    %get3A_70 = arith.constant 0 : index
    %get3A_71 = arith.constant 0 : index
    %get3A_72 = vector.load %arg12[%get3A_70, %get3A_71] : memref<1x128xf32, #tpu.memory_space<vmem>>, vector<1x128xf32>
    %mul3A_73 = vector.broadcast %get3A_72 : vector<1x128xf32> to vector<2560x128xf32>
    %mul3A_74 = arith.mulf %mul3A_69, %mul3A_73 : vector<2560x128xf32>
    %reduce_sum3A_75 = arith.constant dense<0.000000e+00> : vector<2560xf32>
    %reduce_sum3A_76 = vector.multi_reduction <add>, %mul3A_74, %reduce_sum3A_75 [1] : vector<2560x128xf32> to vector<2560xf32>
    %broadcast_in_dim3A_77 = vector.shape_cast %reduce_sum3A_76 : vector<2560xf32> to vector<2560x1xf32>
    %get3A_78 = arith.constant 0 : index
    %get3A_79 = arith.constant 0 : index
    %get3A_80 = vector.load %arg13[%get3A_78, %get3A_79] : memref<1x1xf32, #tpu.memory_space<vmem>>, vector<1x1xf32>
    %add3A_81 = vector.broadcast %get3A_80 : vector<1x1xf32> to vector<2560x1xf32>
    %add3A_82 = arith.addf %broadcast_in_dim3A_77, %add3A_81 : vector<2560x1xf32>
    %swap3A = arith.constant 0 : index
    %swap3A_83 = arith.constant 0 : index
    %swap3A_84 = vector.load %arg14[%swap3A, %swap3A_83] : memref<2560x128xf32, #tpu.memory_space<vmem>>, vector<2560x128xf32>
    tpu.vector_store %arg14[%swap3A, %swap3A_83], %mul3A_50 {strides = array<i32>} : memref<2560x128xf32, #tpu.memory_space<vmem>>, vector<2560x128xf32>,
    %mul3A_85 = vector.broadcast %add3A_82 : vector<2560x1xf32> to vector<2560x3xf32>
    %mul3A_86 = arith.mulf %sub3A, %mul3A_85 : vector<2560x3xf32>
    %broadcast_in_dim3A_87 = arith.constant 1.000000e+00 : f32
    %broadcast_in_dim3A_88 = vector.broadcast %broadcast_in_dim3A_87 : f32 to vector<2560x1xf32>
    %broadcast_in_dim3A_89 = arith.constant 0.000000e+00 : f32
    %broadcast_in_dim3A_90 = vector.broadcast %broadcast_in_dim3A_89 : f32 to vector<2560x124xf32>
    %concatenate3A = tpu.concatenate %mul3A_86, %broadcast_in_dim3A_88, %broadcast_in_dim3A_90 in 1 : vector<2560x3xf32>, vector<2560x1xf32>, vector<2560x124xf32> -> vector<2560x128xf32>
    %swap3A_91 = arith.constant 0 : index
    %swap3A_92 = arith.constant 0 : index
    %swap3A_93 = vector.load %arg15[%swap3A_91, %swap3A_92] : memref<2560x128xf32, #tpu.memory_space<vmem>>, vector<2560x128xf32>
    tpu.vector_store %arg15[%swap3A_91, %swap3A_92], %concatenate3A {strides = array<i32>} : memref<2560x128xf32, #tpu.memory_space<vmem>>, vector<2560x128xf32>,
    return
  }
  func.func @transform_0(%arg0: i32) -> (i32, i32) {
    %c0_i32 = arith.constant 0 : i32
    %c0_i32_0 = arith.constant 0 : i32
    return %arg0, %c0_i32 : i32, i32
  }
  func.func @transform_1(%arg0: i32) -> (i32, i32) {
    %c0_i32 = arith.constant 0 : i32
    %c0_i32_0 = arith.constant 0 : i32
    return %arg0, %c0_i32 : i32, i32
  }
  func.func @transform_2(%arg0: i32) -> (i32, i32) {
    %c0_i32 = arith.constant 0 : i32
    %c0_i32_0 = arith.constant 0 : i32
    return %arg0, %c0_i32 : i32, i32
  }
  func.func @transform_3(%arg0: i32) -> (i32, i32) {
    %c0_i32 = arith.constant 0 : i32
    %c0_i32_0 = arith.constant 0 : i32
    return %arg0, %c0_i32 : i32, i32
  }
  func.func @transform_4(%arg0: i32) -> (i32, i32) {
    %min3A = arith.constant 124 : i32
    %min3A_0 = arith.minsi %arg0, %min3A : i32
    %c0_i32 = arith.constant 0 : i32
    %c0_i32_1 = arith.constant 0 : i32
    return %min3A_0, %c0_i32 : i32, i32
  }
  func.func @transform_5(%arg0: i32) -> (i32, i32) {
    %c0_i32 = arith.constant 0 : i32
    %c0_i32_0 = arith.constant 0 : i32
    %c0_i32_1 = arith.constant 0 : i32
    return %c0_i32, %c0_i32_0 : i32, i32
  }
  func.func @transform_6(%arg0: i32) -> (i32, i32) {
    %c0_i32 = arith.constant 0 : i32
    %c0_i32_0 = arith.constant 0 : i32
    %c0_i32_1 = arith.constant 0 : i32
    return %c0_i32, %c0_i32_0 : i32, i32
  }
  func.func @transform_7(%arg0: i32) -> (i32, i32) {
    %c0_i32 = arith.constant 0 : i32
    %c0_i32_0 = arith.constant 0 : i32
    %c0_i32_1 = arith.constant 0 : i32
    return %c0_i32, %c0_i32_0 : i32, i32
  }
  func.func @transform_8(%arg0: i32) -> (i32, i32) {
    %c0_i32 = arith.constant 0 : i32
    %c0_i32_0 = arith.constant 0 : i32
    %c0_i32_1 = arith.constant 0 : i32
    return %c0_i32, %c0_i32_0 : i32, i32
  }
  func.func @transform_9(%arg0: i32) -> (i32, i32) {
    %c0_i32 = arith.constant 0 : i32
    %c0_i32_0 = arith.constant 0 : i32
    %c0_i32_1 = arith.constant 0 : i32
    return %c0_i32, %c0_i32_0 : i32, i32
  }
  func.func @transform_10(%arg0: i32) -> (i32, i32) {
    %c0_i32 = arith.constant 0 : i32
    %c0_i32_0 = arith.constant 0 : i32
    %c0_i32_1 = arith.constant 0 : i32
    return %c0_i32, %c0_i32_0 : i32, i32
  }
  func.func @transform_11(%arg0: i32) -> (i32, i32) {
    %c0_i32 = arith.constant 0 : i32
    %c0_i32_0 = arith.constant 0 : i32
    %c0_i32_1 = arith.constant 0 : i32
    return %c0_i32, %c0_i32_0 : i32, i32
  }
  func.func @transform_12(%arg0: i32) -> (i32, i32) {
    %c0_i32 = arith.constant 0 : i32
    %c0_i32_0 = arith.constant 0 : i32
    %c0_i32_1 = arith.constant 0 : i32
    return %c0_i32, %c0_i32_0 : i32, i32
  }
  func.func @transform_13(%arg0: i32) -> (i32, i32) {
    %c0_i32 = arith.constant 0 : i32
    %c0_i32_0 = arith.constant 0 : i32
    return %arg0, %c0_i32 : i32, i32
  }
  func.func @transform_14(%arg0: i32) -> (i32, i32) {
    %c0_i32 = arith.constant 0 : i32
    %c0_i32_0 = arith.constant 0 : i32
    return %arg0, %c0_i32 : i32, i32
  }
}

module attributes {stable_mosaic.version = 14 : i64} {
  func.func @_node_body(%arg0: i32, %arg1: memref<1000x128xf32, #tpu.memory_space<vmem>>, %arg2: memref<1000x128xf32, #tpu.memory_space<vmem>>, %arg3: memref<1000x128xf32, #tpu.memory_space<vmem>>, %arg4: memref<1000x128xf32, #tpu.memory_space<vmem>>, %arg5: memref<1000x128xf32, #tpu.memory_space<vmem>>, %arg6: memref<1000x3xf32, #tpu.memory_space<vmem>>, %arg7: memref<128x128xf32, #tpu.memory_space<vmem>>, %arg8: memref<128x128xf32, #tpu.memory_space<vmem>>, %arg9: memref<1x128xf32, #tpu.memory_space<vmem>>, %arg10: memref<128x128xf32, #tpu.memory_space<vmem>>, %arg11: memref<1x128xf32, #tpu.memory_space<vmem>>, %arg12: memref<1000x131xf32, #tpu.memory_space<vmem>>) attributes {dimension_semantics = [#tpu.dimension_semantics<arbitrary>], iteration_bounds = array<i64: 10>, scalar_prefetch = 0 : i64, scratch_operands = 0 : i64, tpu.core_type = #tpu.core_type<tc>, window_params = [{transform_indices = @transform_0, window_bounds = array<i64: 1000, 128>}, {transform_indices = @transform_1, window_bounds = array<i64: 1000, 128>}, {transform_indices = @transform_2, window_bounds = array<i64: 1000, 128>}, {transform_indices = @transform_3, window_bounds = array<i64: 1000, 128>}, {transform_indices = @transform_4, window_bounds = array<i64: 1000, 128>}, {transform_indices = @transform_5, window_bounds = array<i64: 1000, 3>}, {pipeline_mode = #tpu.pipeline_mode<synchronous>, transform_indices = @transform_6, window_bounds = array<i64: 128, 128>}, {pipeline_mode = #tpu.pipeline_mode<synchronous>, transform_indices = @transform_7, window_bounds = array<i64: 128, 128>}, {pipeline_mode = #tpu.pipeline_mode<synchronous>, transform_indices = @transform_8, window_bounds = array<i64: 1, 128>}, {pipeline_mode = #tpu.pipeline_mode<synchronous>, transform_indices = @transform_9, window_bounds = array<i64: 128, 128>}, {pipeline_mode = #tpu.pipeline_mode<synchronous>, transform_indices = @transform_10, window_bounds = array<i64: 1, 128>}, {transform_indices = @transform_11, window_bounds = array<i64: 1000, 131>}]} {
    %get3A = arith.constant 0 : index
    %get3A_0 = arith.constant 0 : index
    %get3A_1 = vector.load %arg3[%get3A, %get3A_0] : memref<1000x128xf32, #tpu.memory_space<vmem>>, vector<1000x128xf32>
    %get3A_2 = arith.constant 0 : index
    %get3A_3 = arith.constant 0 : index
    %get3A_4 = vector.load %arg4[%get3A_2, %get3A_3] : memref<1000x128xf32, #tpu.memory_space<vmem>>, vector<1000x128xf32>
    %add3A = arith.addf %get3A_1, %get3A_4 : vector<1000x128xf32>
    %get3A_5 = arith.constant 0 : index
    %get3A_6 = arith.constant 0 : index
    %get3A_7 = vector.load %arg5[%get3A_5, %get3A_6] : memref<1000x128xf32, #tpu.memory_space<vmem>>, vector<1000x128xf32>
    %slice3A = vector.extract_strided_slice %add3A {offsets = [0, 3], sizes = [1000, 1], strides = [1, 1]} : vector<1000x128xf32> to vector<1000x1xf32>
    %max3A = arith.constant 1.000000e+00 : f32
    %max3A_8 = vector.broadcast %max3A : f32 to vector<1000x1xf32>
    %max3A_9 = arith.maximumf %slice3A, %max3A_8 : vector<1000x1xf32>
    %div3A = arith.constant 1.000000e+00 : f32
    %div3A_10 = vector.broadcast %div3A : f32 to vector<1000x1xf32>
    %div3A_11 = arith.divf %div3A_10, %max3A_9 : vector<1000x1xf32>
    %get3A_12 = arith.constant 0 : index
    %get3A_13 = arith.constant 0 : index
    %get3A_14 = vector.load %arg1[%get3A_12, %get3A_13] : memref<1000x128xf32, #tpu.memory_space<vmem>>, vector<1000x128xf32>
    %get3A_15 = arith.constant 0 : index
    %get3A_16 = arith.constant 0 : index
    %get3A_17 = vector.load %arg2[%get3A_15, %get3A_16] : memref<1000x128xf32, #tpu.memory_space<vmem>>, vector<1000x128xf32>
    %add3A_18 = arith.addf %get3A_14, %get3A_17 : vector<1000x128xf32>
    %mul3A = vector.broadcast %div3A_11 : vector<1000x1xf32> to vector<1000x128xf32>
    %mul3A_19 = arith.mulf %add3A_18, %mul3A : vector<1000x128xf32>
    %slice3A_20 = vector.extract_strided_slice %add3A {offsets = [0, 0], sizes = [1000, 3], strides = [1, 1]} : vector<1000x128xf32> to vector<1000x3xf32>
    %mul3A_21 = vector.broadcast %div3A_11 : vector<1000x1xf32> to vector<1000x3xf32>
    %mul3A_22 = arith.mulf %slice3A_20, %mul3A_21 : vector<1000x3xf32>
    %get3A_23 = arith.constant 0 : index
    %get3A_24 = arith.constant 0 : index
    %get3A_25 = vector.load %arg6[%get3A_23, %get3A_24] : memref<1000x3xf32, #tpu.memory_space<vmem>>, vector<1000x3xf32>
    %add3A_26 = arith.addf %get3A_25, %mul3A_22 : vector<1000x3xf32>
    %get3A_27 = arith.constant 0 : index
    %get3A_28 = arith.constant 0 : index
    %get3A_29 = vector.load %arg7[%get3A_27, %get3A_28] : memref<128x128xf32, #tpu.memory_space<vmem>>, vector<128x128xf32>
    %dot_general3A = arith.constant dense<0.000000e+00> : vector<1000x128xf32>
    %dot_general3A_30 = tpu.matmul %get3A_7, %get3A_29, %dot_general3A {dimension_numbers = #tpu.dot_dimension_numbers<[1], [0], [0], [1], [0, 0, 1, 1], [], []>, transpose_lhs_hint = false} : vector<1000x128xf32>, vector<128x128xf32>, vector<1000x128xf32> -> vector<1000x128xf32>
    %get3A_31 = arith.constant 0 : index
    %get3A_32 = arith.constant 0 : index
    %get3A_33 = vector.load %arg8[%get3A_31, %get3A_32] : memref<128x128xf32, #tpu.memory_space<vmem>>, vector<128x128xf32>
    %dot_general3A_34 = arith.constant dense<0.000000e+00> : vector<1000x128xf32>
    %dot_general3A_35 = tpu.matmul %mul3A_19, %get3A_33, %dot_general3A_34 {dimension_numbers = #tpu.dot_dimension_numbers<[1], [0], [0], [1], [0, 0, 1, 1], [], []>, transpose_lhs_hint = false} : vector<1000x128xf32>, vector<128x128xf32>, vector<1000x128xf32> -> vector<1000x128xf32>
    %add3A_36 = arith.addf %dot_general3A_30, %dot_general3A_35 : vector<1000x128xf32>
    %get3A_37 = arith.constant 0 : index
    %get3A_38 = arith.constant 0 : index
    %get3A_39 = vector.load %arg9[%get3A_37, %get3A_38] : memref<1x128xf32, #tpu.memory_space<vmem>>, vector<1x128xf32>
    %add3A_40 = vector.broadcast %get3A_39 : vector<1x128xf32> to vector<1000x128xf32>
    %add3A_41 = arith.addf %add3A_36, %add3A_40 : vector<1000x128xf32>
    %logistic3A = arith.negf %add3A_41 : vector<1000x128xf32>
    %logistic3A_42 = math.exp %logistic3A : vector<1000x128xf32>
    %logistic3A_43 = arith.constant 1.000000e+00 : f32
    %logistic3A_44 = vector.broadcast %logistic3A_43 : f32 to vector<1000x128xf32>
    %logistic3A_45 = arith.addf %logistic3A_44, %logistic3A_42 : vector<1000x128xf32>
    %logistic3A_46 = arith.divf %logistic3A_44, %logistic3A_45 : vector<1000x128xf32>
    %mul3A_47 = arith.mulf %add3A_41, %logistic3A_46 : vector<1000x128xf32>
    %get3A_48 = arith.constant 0 : index
    %get3A_49 = arith.constant 0 : index
    %get3A_50 = vector.load %arg10[%get3A_48, %get3A_49] : memref<128x128xf32, #tpu.memory_space<vmem>>, vector<128x128xf32>
    %dot_general3A_51 = arith.constant dense<0.000000e+00> : vector<1000x128xf32>
    %dot_general3A_52 = tpu.matmul %mul3A_47, %get3A_50, %dot_general3A_51 {dimension_numbers = #tpu.dot_dimension_numbers<[1], [0], [0], [1], [0, 0, 1, 1], [], []>, transpose_lhs_hint = false} : vector<1000x128xf32>, vector<128x128xf32>, vector<1000x128xf32> -> vector<1000x128xf32>
    %add3A_53 = arith.addf %get3A_7, %dot_general3A_52 : vector<1000x128xf32>
    %get3A_54 = arith.constant 0 : index
    %get3A_55 = arith.constant 0 : index
    %get3A_56 = vector.load %arg11[%get3A_54, %get3A_55] : memref<1x128xf32, #tpu.memory_space<vmem>>, vector<1x128xf32>
    %add3A_57 = vector.broadcast %get3A_56 : vector<1x128xf32> to vector<1000x128xf32>
    %add3A_58 = arith.addf %add3A_53, %add3A_57 : vector<1000x128xf32>
    %concatenate3A = tpu.concatenate %add3A_26, %add3A_58 in 1 : vector<1000x3xf32>, vector<1000x128xf32> -> vector<1000x131xf32>
    %swap3A = arith.constant 0 : index
    %swap3A_59 = arith.constant 0 : index
    %swap3A_60 = vector.load %arg12[%swap3A, %swap3A_59] : memref<1000x131xf32, #tpu.memory_space<vmem>>, vector<1000x131xf32>
    tpu.vector_store %arg12[%swap3A, %swap3A_59], %concatenate3A {strides = array<i32>} : memref<1000x131xf32, #tpu.memory_space<vmem>>, vector<1000x131xf32>,
    return
  }
  func.func @transform_0(%arg0: i32) -> (i32, i32) {
    %c0_i32 = arith.constant 0 : i32
    %c0_i32_0 = arith.constant 0 : i32
    return %arg0, %c0_i32 : i32, i32
  }
  func.func @transform_1(%arg0: i32) -> (i32, i32) {
    %c0_i32 = arith.constant 0 : i32
    %c0_i32_0 = arith.constant 0 : i32
    return %arg0, %c0_i32 : i32, i32
  }
  func.func @transform_2(%arg0: i32) -> (i32, i32) {
    %c0_i32 = arith.constant 0 : i32
    %c0_i32_0 = arith.constant 0 : i32
    return %arg0, %c0_i32 : i32, i32
  }
  func.func @transform_3(%arg0: i32) -> (i32, i32) {
    %c0_i32 = arith.constant 0 : i32
    %c0_i32_0 = arith.constant 0 : i32
    return %arg0, %c0_i32 : i32, i32
  }
  func.func @transform_4(%arg0: i32) -> (i32, i32) {
    %c0_i32 = arith.constant 0 : i32
    %c0_i32_0 = arith.constant 0 : i32
    return %arg0, %c0_i32 : i32, i32
  }
  func.func @transform_5(%arg0: i32) -> (i32, i32) {
    %c0_i32 = arith.constant 0 : i32
    %c0_i32_0 = arith.constant 0 : i32
    return %arg0, %c0_i32 : i32, i32
  }
  func.func @transform_6(%arg0: i32) -> (i32, i32) {
    %c0_i32 = arith.constant 0 : i32
    %c0_i32_0 = arith.constant 0 : i32
    %c0_i32_1 = arith.constant 0 : i32
    return %c0_i32, %c0_i32_0 : i32, i32
  }
  func.func @transform_7(%arg0: i32) -> (i32, i32) {
    %c0_i32 = arith.constant 0 : i32
    %c0_i32_0 = arith.constant 0 : i32
    %c0_i32_1 = arith.constant 0 : i32
    return %c0_i32, %c0_i32_0 : i32, i32
  }
  func.func @transform_8(%arg0: i32) -> (i32, i32) {
    %c0_i32 = arith.constant 0 : i32
    %c0_i32_0 = arith.constant 0 : i32
    %c0_i32_1 = arith.constant 0 : i32
    return %c0_i32, %c0_i32_0 : i32, i32
  }
  func.func @transform_9(%arg0: i32) -> (i32, i32) {
    %c0_i32 = arith.constant 0 : i32
    %c0_i32_0 = arith.constant 0 : i32
    %c0_i32_1 = arith.constant 0 : i32
    return %c0_i32, %c0_i32_0 : i32, i32
  }
  func.func @transform_10(%arg0: i32) -> (i32, i32) {
    %c0_i32 = arith.constant 0 : i32
    %c0_i32_0 = arith.constant 0 : i32
    %c0_i32_1 = arith.constant 0 : i32
    return %c0_i32, %c0_i32_0 : i32, i32
  }
  func.func @transform_11(%arg0: i32) -> (i32, i32) {
    %c0_i32 = arith.constant 0 : i32
    %c0_i32_0 = arith.constant 0 : i32
    return %arg0, %c0_i32 : i32, i32
  }
}

</mosaic_0001>

<sc_bundles>
// kernel: kernel.10.cloned.1.call-start
scs
__scs_entry_jumppad:
0x0: {  	(pc) =	sbr.rel $0x88, $3  }
0x1: {  	(tag) =	ssettag $0x0;
	lr =	simm.s32 $0x1  }
0x2: {  	[smem:$0x3F92] =	sst lr;
	_ =	strace $0xD0000000  }
0x3: {  	_ = 	snop  }
0x4: {  	_ = 	snop  }
0x5: {  	_ = 	snop  }
0x6: {  	_ = 	snop  }
0x7: {  	_ = 	snop  }
__scs_overlays_trampoline_lowered:
0x8: {  	[smem:$0x3FA1] =	sst s0  }
0x9: {  	[smem:$0x3FA2] =	sst s1  }
0xa: {  	[smem:$0x3FA3] =	sst s2  }
0xb: {  	[smem:$0x3FA4] =	sst s3  }
0xc: {  	[smem:$0x3FA5] =	sst s4  }
0xd: {  	[smem:$0x3FA6] =	sst s5  }
0xe: {  	[smem:$0x3FA7] =	sst s6  }
0xf: {  	[smem:$0x3FA8] =	sst s7  }
0x10: {  	[smem:$0x3FA9] =	sst s8  }
0x11: {  	[smem:$0x3FAA] =	sst s9;
	s0 =	simm.s32 @!p0 $0x0  }
0x12: {  	s1 =	sld [smem:$0x3F90];
	s0 =	simm.s32 @p0 $0x1  }
0x13: {  	[smem:$0x3FAB] =	sst s0;
	s0 =	simm.s32 @!p1 $0x0  }
0x14: {  	s2 =	sld [smem:$0x3F8F];
	s0 =	simm.s32 @p1 $0x1  }
0x15: {  	[smem:$0x3FAC] =	sst s0;
	s0 =	simm.s32 @!p2 $0x0  }
0x16: {  	s3 =	sld [smem:$0x3FDB];
	s0 =	simm.s32 @p2 $0x1  }
0x17: {  	s4 =	simm.s32 $0x1BF5;
	[smem:$0x3FAE] =	sst s0  }
0x18: {  	s0 =	sld [smem:$0x3F91];
	_ =	swait.ge [sflag:s4], $0x0  }
0x19: {  	s7 =	sld [smem:$0x3F92]  }
0x1a: {  	s8 =	sadd.s32 $0xFFFFE003, lr  }
0x1b: {  	s9 =	sadd.s32 $0xFFFFFEF7, lr;
	s5 =	simm.s32 $0xFFFFFFFF;
	p2 =	slt.u32 s8, $0xFFFFF086  }
0x1c: {  	p1 =	slt.u32 s9, $0xF7A;
	s5 =	simm.s32 @!p2 $0x0  }
0x1d: {  	s5 =	simm.s32 @p1 $0x1;
	p0 =	seq.s32 s7, s2  }
0x1e: {  	s7 =	smul.u32 @!p0 $0xF7A, s2;
	p2 =	seq.s32 @!p0 s5, $0x0  }
0x1f: {  	s9 =	smul.u32 $0xF7A, s1;
	s8 =	simm.s32 @!p0 $0x1BF5;
	p2 =	por !p2, p0  }
0x20: {  	[sflag:s8] =	ssyncset.s32 @!p0 $0xFFFFF086;
	s6 =	sadd.s32 @!p0 s3, s7;
	s7 =	simm.s32 @!p0 $0x108  }
0x21: {  	s3 =	sadd.s32 s3, s9;
	s6 =	sadd.s32 @!p0 $0x88, s6;
	s7 =	simm.s32 @p2 $0x1082  }
0x22: {  	[simem:s7], [sflag:s8] =	dma.local @!p0 [hbm:s6], $0xF7A  }
0x23: {  	s9 =	sor.u32 $0xD0000000, s2;
	s6 =	simm.s32 $0x108;
	_ =	swait.ge @!p0 [sflag:s8], $0x0  }
0x24: {  	s3 =	sadd.s32 $0x88, s3;
	s6 =	simm.s32 @!p1 $0x1082;
	[sflag:s4] =	ssyncset.s32 $0xFFFFF086  }
0x25: {  	[simem:s6], [sflag:s4] =	dma.local [hbm:s3], $0xF7A  }
0x26: {  	[smem:$0x3F92] =	sst s1;
	(tag) =	ssettag s2;
	_ =	strace s9  }
0x27: {  	s1 =	sld [smem:$0x3FA2]  }
0x28: {  	s2 =	sld [smem:$0x3FA3]  }
0x29: {  	s4 =	sld [smem:$0x3FA5]  }
0x2a: {  	p0 =	seq.s32 s5, $0x0;
	s5 =	sld [smem:$0x3FA6]  }
0x2b: {  	s6 =	sld [smem:$0x3FA7]  }
0x2c: {  	s7 =	sld [smem:$0x3FA8]  }
0x2d: {  	s3 =	simm.s32 $0x108;
	s8 =	sld [smem:$0x3FA9]  }
0x2e: {  	s3 =	simm.s32 @!p0 $0x1082;
	s9 =	sld [smem:$0x3FAA]  }
0x2f: {  	lr =	sadd.s32 s0, s3;
	s0 =	sld [smem:$0x3FA1]  }
0x30: {  	s3 =	sld [smem:$0x3FA4]  }
0x31: {  	[smem:$0x3FAD] =	sst s10  }
0x32: {  	s10 =	sld [smem:$0x3FAB];
	_ =	sdelay $0x3  }
0x33: {  	p0 =	seq.s32 s10, $0x1;
	s10 =	sld [smem:$0x3FAD];
	_ =	sdelay $0x3  }
0x34: {  	[smem:$0x3FAD] =	sst s10  }
0x35: {  	s10 =	sld [smem:$0x3FAC];
	_ =	sdelay $0x3  }
0x36: {  	p1 =	seq.s32 s10, $0x1;
	s10 =	sld [smem:$0x3FAD];
	_ =	sdelay $0x3  }
0x37: {  	[smem:$0x3FAD] =	sst s10  }
0x38: {  	s10 =	sld [smem:$0x3FAE]  }
0x39: {  	_ = 	snop;
	(pc) =	sbr.ind lr, $3  }
0x3a: {  	_ = 	snop  }
0x3b: {  	_ = 	snop  }
0x3c: {  	p2 =	seq.s32 s10, $0x1;
	s10 =	sld [smem:$0x3FAD]  }
0x3d: {  	_ =	shalt  }
0x3e: {  	_ =	shalt  }
0x3f: {  	_ =	shalt  }
0x40: {  	_ =	shalt  }
0x41: {  	_ =	shalt  }
0x42: {  	_ =	shalt  }
0x43: {  	_ =	shalt  }
0x44: {  	_ =	shalt  }
0x45: {  	_ =	shalt  }
0x46: {  	_ =	shalt  }
0x47: {  	_ =	shalt  }
0x48: {  	_ =	shalt  }
0x49: {  	_ =	shalt  }
0x4a: {  	_ =	shalt  }
0x4b: {  	_ =	shalt  }
0x4c: {  	_ =	shalt  }
0x4d: {  	_ =	shalt  }
0x4e: {  	_ =	shalt  }
0x4f: {  	_ =	shalt  }
0x50: {  	_ =	shalt  }
0x51: {  	_ =	shalt  }
0x52: {  	_ =	shalt  }
0x53: {  	_ =	shalt  }
0x54: {  	_ =	shalt  }
0x55: {  	_ =	shalt  }
0x56: {  	_ =	shalt  }
0x57: {  	_ =	shalt  }
0x58: {  	_ =	shalt  }
0x59: {  	_ =	shalt  }
0x5a: {  	_ =	shalt  }
0x5b: {  	_ =	shalt  }
0x5c: {  	_ =	shalt  }
0x5d: {  	_ =	shalt  }
0x5e: {  	_ =	shalt  }
0x5f: {  	_ =	shalt  }
0x60: {  	_ =	shalt  }
0x61: {  	_ =	shalt  }
0x62: {  	_ =	shalt  }
0x63: {  	_ =	shalt  }
0x64: {  	_ =	shalt  }
0x65: {  	_ =	shalt  }
0x66: {  	_ =	shalt  }
0x67: {  	_ =	shalt  }
0x68: {  	_ =	shalt  }
0x69: {  	_ =	shalt  }
0x6a: {  	_ =	shalt  }
0x6b: {  	_ =	shalt  }
0x6c: {  	_ =	shalt  }
0x6d: {  	_ =	shalt  }
0x6e: {  	_ =	shalt  }
0x6f: {  	_ =	shalt  }
0x70: {  	_ =	shalt  }
0x71: {  	_ =	shalt  }
0x72: {  	_ =	shalt  }
0x73: {  	_ =	shalt  }
0x74: {  	_ =	shalt  }
0x75: {  	_ =	shalt  }
0x76: {  	_ =	shalt  }
0x77: {  	_ =	shalt  }
0x78: {  	_ =	shalt  }
0x79: {  	_ =	shalt  }
0x7a: {  	_ =	shalt  }
0x7b: {  	_ =	shalt  }
0x7c: {  	_ =	shalt  }
0x7d: {  	_ =	shalt  }
0x7e: {  	_ =	shalt  }
0x7f: {  	_ =	shalt  }
0x80: {  	_ =	shalt  }
0x81: {  	_ =	shalt  }
0x82: {  	_ =	shalt  }
0x83: {  	_ =	shalt  }
0x84: {  	_ =	shalt  }
0x85: {  	_ =	shalt  }
0x86: {  	_ =	shalt  }
0x87: {  	_ =	shalt  }
.Lfunc_end0:
.L_simem_size_0:
called_computation.1_lowered:
.L_overlay_start_0:
0x88: {  	s2 =	sld [smem:$0x3FD9]  }
0x89: {  	s3 =	sld [smem:$0x3FFE];
	_ =	sdelay $0x1  }
0x8a: {  	s1 =	srdreg.scid  }
0x8b: {  	s0 =	sand.u32 $0x1, s1  }
0x8c: {  	s16 =	sshll.u32 s0, $0xA;
	s2 =	sadd.s32 s3, s2  }
0x8d: {  	s2 =	sadd.s32 s2, s16  }
0x8e: {  	[smem:$0x3FB9] =	sst s2  }
0x8f: {  	_ = 	snop  }
0x90: {  	(tm) =	ssettm $0x1  }
0x91: {  	s17 =	sld [smem:$0x3FFB];
	_ =	sdelay $0x3  }
0x92: {  	_ =	strace s17  }
0x93: {  	s2 =	sld [smem:$0x3FFC];
	_ =	sdelay $0x3  }
0x94: {  	_ =	strace s2  }
0x95: {  	s2 =	sld [smem:$0x3FFD];
	_ =	sdelay $0x3  }
0x96: {  	_ =	strace s2  }
0x97: {  	_ =	strace $0x8FFFFFFF  }
0x98: {  	s18 =	sld [smem:$0x3FDB];
	_ =	sdelay $0x1  }
0x99: {  	s19 =	simm.s32 $_scs_section_size  }
0x9a: {  	s4 =	simm.s32 $_size__tile_overlayer_lowered;
	s5 =	simm.s32 $_tile_overlayer_lowered  }
0x9b: {  	s22 =	simm.s32 $0x1BFF;
	s21 =	sshll.u32 s5, $0x1;
	s2 =	sadd.s32 s19, s18  }
0x9c: {  	s6 =	simm.s32 $0x0;
	s20 =	sshll.u32 s4, $0x1;
	s4 =	sadd.s32 s21, s2  }
0x9d: {  	[timem:s6], [sflag:s22] =	dma.local [hbm:s4], s20  }
0x9e: {  	_ =	swait.ge [sflag:s22], s20  }
0x9f: {  	s3 =	ssub.s32 $0x0, s20;
	[sflag:s22] =	ssyncset.done $0x0  }
0xa0: {  	[sflag:s22] =	ssyncadd.s32 s3;
	_ =	sdelay $0x1  }
0xa1: {  	s23 =	simm.s32 $0x1B8B  }
0xa2: {  	_ =	swait.ge [sflag:s23], $0x1  }
0xa3: {  	[sflag:s23] =	ssyncset.done $0x0  }
0xa4: {  	s25 =	simm.s32 $0x1B8E;
	s24 =	sld [smem:$0x3FFE];
	[sflag:s23] =	ssyncadd.s32 $0xFFFFFFFF  }
0xa5: {  	s26 =	simm.s32 $execute0_lowered;
	[smem:$0x3FD2] =	sst s25  }
0xa6: {  	s4 =	sshll.u32 s26, $0x1;
	_ =	strace $0x80000049;
	[dreg:$0x1] =	wrdreg $0xFFFFFFFF  }
0xa7: {  	s28 =	simm.s32 $_size_execute0_lowered;
	s2 =	sadd.s32 s2, s4;
	[dreg:$0x0] =	wrdreg $0x0  }
0xa8: {  	s4 =	sshll.u32 s28, $0x1;
	[dreg:$0x2] =	wrdreg s2  }
0xa9: {  	[dreg:$0x3] =	wrdreg s4  }
0xaa: {  	[dreg:$0x4] =	wrdreg $0xC0  }
0xab: {  	_ =	task [dreg:s6], $0x5FFFF  }
0xac: {  	[dreg:$0x1] =	wrdreg $0xFFFFFFFF  }
0xad: {  	[dreg:$0x0] =	wrdreg $0x60  }
0xae: {  	[dreg:$0x2] =	wrdreg s24  }
0xaf: {  	[dreg:$0x3] =	wrdreg $0x2DA00  }
0xb0: {  	[dreg:$0x4] =	wrdreg $0x16DA00  }
0xb1: {  	[dreg:$0x5] =	wrdreg $0x9  }
0xb2: {  	_ =	task.clear_ibuf [dreg:s6], $0x6FFFF;
	_ =	strace $0x90000049  }
0xb3: {  	s29 =	simm.s32 $0x9;
	_ =	strace $0x8000004B  }
0xb4: {  	_ =	swait.ge [sflag:s29], $0x1  }
0xb5: {  	[sflag:s29] =	ssyncadd.s32 $0xFFFFFFFF  }
0xb6: {  	_ =	strace $0x9000004B  }
0xb7: {  	_ =	sfence  }
0xb8: {  	s30 =	sld [smem:$0x0];
	_ =	sdelay $0x2  }
0xb9: {  	s31 =	sshll.u32 s1, $0xD;
	s1 =	sshrl.u32 s1, $0x2  }
0xba: {  	s3 =	sand.u32 $0x4000, s31;
	s1 =	sadd.s32 s1, s30  }
0xbb: {  	s0 =	sor.u32 s3, s0;
	s1 =	sshll.u32 s1, $0x11  }
0xbc: {  	s0 =	sor.u32 s1, s0  }
0xbd: {  	s0 =	sadd.s32 $0x8F2B, s0  }
0xbe: {  	[sflag:s0] =	ssyncadd.remote.s32 $0x1  }
0xbf: {  	_ =	sfence.sel $0xFFFF  }
0xc0: {  	[dreg:$0x0] =	wrdreg $0xFFFFFFFF;
	(pc) =	sbr.abs _section_cstart, $3  }
0xc1: {  	[dreg:$0x1] =	wrdreg $0xFFFFFFFF  }
0xc2: {  	_ =	task.clear_ibuf [dreg:s6], $0x2FFFF;
	_ =	strace $0x9FFFFFFF  }
0xc3: {  	(tm) =	ssettm $0x7FFFFFFF  }
tec
execute0_lowered:
.L_overlay_start_1:
0x0: {  	(tag) =	ssettag $0x1  }
0x1: {  	s12 =	stileid.u32  }
0x2: {  	s0 =	rddreg [dreg:$0x0];
	s1 =	smul.u32 $0x4E200, s12  }
0x3: {  	s3 =	srdreg.scid;
	s6 =	smul.u32 $0x4E20, s12  }
0x4: {  	s2 =	rddreg [dreg:$0x1];
	s19 =	smul.u32 $0x14000, s12  }
0x5: {  	s4 =	simm.s32 $0x0;
	s29 =	simm.s32 $0xA0;
	s11 =	smul.u32 $0xA000, s12  }
0x6: {  	s30 =	simm.s32 $0x4;
	s5 =	sand.u32 $0x1, s3;
	s23 =	smul.u32 $0x50000, s12  }
0x7: {  	s31 =	simm.s32 $0x28A0;
	[smem:$0x7FF] =	sst s4;
	s7 =	smul.u32 $0x2710, s5  }
0x8: {  	s3 =	rddreg [dreg:$0x2];
	s8 =	smul.u32 $0x140000, s5;
	_ =	strace $0x8000004A  }
0x9: {  	s9 =	ssub.s32 $0x2, s5;
	s5 =	smul.u32 $0x27100, s5;
	s1 =	sadd.s32 s1, s0  }
0xa: {  	s10 =	sshrl.u32 s9, $0x1;
	s22 =	sshrl.u32 s11, $0x2;
	s25 =	sshrl.u32 s23, $0x2  }
0xb: {  	s6 =	sadd.s32 s7, s6;
	s8 =	sadd.s32 s19, s8;
	s20 =	ssub.s32 s9, s10  }
0xc: {  	s9 =	smul.u32 $0x280, s12;
	s12 =	sadd.s32 s19, s2;
	s7 =	sadd.s32 s22, s3  }
0xd: {  	s1 =	sadd.s32 s5, s1;
	s5 =	simm.s32 $0x1;
	s6 =	sshrl.u32 s6, $0x3  }
0xe: {  	s8 =	sshrl.u32 s8, $0x3;
	s24 =	smax.u32 s20, $0x1;
	s28 =	sshrl.u32 s12, $0x3  }
0xf: {  	s6 =	sadd.s32 s6, s0;
	s0 =	sadd.s32 s8, s0;
	[dreg:$0x6] =	wrdreg s24  }
0x10: {  	s26 =	sor.u32 $0x50, s9;
	s13 =	sadd.s32 $0xA0, s9;
	s15 =	sadd.s32 $0xF0, s9  }
0x11: {  	s18 =	sadd.s32 $0x140, s9;
	s20 =	sadd.s32 $0x190, s9;
	s22 =	sadd.s32 $0x1E0, s9  }
0x12: {  	s24 =	sadd.s32 $0x230, s9;
	s9 =	simm.s32 $0x50;
	s21 =	sadd.s32 $0x65E00, s0  }
0x13: {  	s0 =	sadd.s32 $0xB5E00, s0;
	s10 =	sshll.u32 s26, $0x7;
	s8 =	sshll.u32 s26, $0x4  }
0x14: {  	s14 =	sshll.u32 s13, $0x7;
	s16 =	sshll.u32 s15, $0x7;
	s17 =	sshll.u32 s15, $0x4  }
0x15: {  	s19 =	sshll.u32 s18, $0x7;
	s23 =	sshll.u32 s22, $0x7;
	[dreg:$0x4] =	wrdreg s21  }
0x16: {  	s26 =	sshll.u32 s24, $0x4;
	[dreg:$0x5] =	wrdreg s0;
	s0 =	sadd.s32 s25, s2  }
0x17: {  	s11 =	sadd.s32 s8, s3;
	s8 =	sadd.s32 s14, s2;
	[dreg:$0x7] =	wrdreg s0  }
0x18: {  	s21 =	sshll.u32 s20, $0x7;
	s0 =	sadd.s32 s10, s2;
	[dreg:$0x9] =	wrdreg s11  }
0x19: {  	s25 =	sshll.u32 s24, $0x7;
	[dreg:$0x8] =	wrdreg s0;
	s0 =	sshll.u32 s13, $0x4  }
0x1a: {  	s24 =	sadd.s32 $0x1DDF000, s1;
	[dreg:$0xa] =	wrdreg s8;
	s0 =	sadd.s32 s0, s3  }
0x1b: {  	s8 =	sshll.u32 s18, $0x4;
	[dreg:$0xb] =	wrdreg s0;
	s0 =	sadd.s32 s16, s2  }
0x1c: {  	s18 =	sadd.s32 s21, s2;
	[dreg:$0xc] =	wrdreg s0;
	s0 =	sadd.s32 s17, s3  }
0x1d: {  	s10 =	simm.s32 $0x0;
	[dreg:$0xd] =	wrdreg s0;
	s0 =	sadd.s32 s19, s2  }
0x1e: {  	s17 =	sadd.s32 s8, s3;
	s8 =	simm.s32 $0x3;
	[dreg:$0xe] =	wrdreg s0  }
0x1f: {  	s0 =	sshll.u32 s20, $0x4;
	s20 =	sadd.s32 s23, s2;
	s23 =	sadd.s32 s26, s3  }
0x20: {  	s26 =	sadd.s32 $0x34E00, s6;
	s6 =	simm.s32 $0x2;
	s19 =	sadd.s32 s0, s3  }
0x21: {  	s0 =	sshll.u32 s22, $0x4;
	s22 =	sadd.s32 s25, s2;
	s25 =	sadd.s32 $0x18FD000, s1  }
0x22: {  	v0 =	vimm.f32 $0.0e+00;
	s1 =	simm.s32 $0x10;
	s21 =	sadd.s32 s0, s3;
	s0 =	simm.s32 $0x80  }
.LBB2_1:
0x23: {  	s11 =	simm.s32 $0xE0  }
0x24: {  	[tilespmem:s11+$0xFFFFFFD0] =	vst v0  }
0x25: {  	[tilespmem:s11+$0xFFFFFFE0] =	vst v0  }
0x26: {  	[tilespmem:s11+$0xFFFFFFF0] =	vst v0  }
0x27: {  	[tilespmem:s11+$0x0] =	vst v0  }
0x28: {  	[tilespmem:s11+$0x10] =	vst v0  }
0x29: {  	[tilespmem:s11+$0x20] =	vst v0  }
0x2a: {  	[tilespmem:s11+$0x30] =	vst v0  }
0x2b: {  	s13 =	simm.s32 $0x0;
	s12 =	simm.s32 $0x40;
	[tilespmem:s11+$0xFFFFFFC0] =	vst v0  }
.LBB2_2:
0x2c: {  	p0 =	sne.s32 s12, $0x13C0;
	[tilespmem:s13+$0x28A0] =	vst v0;
	s11 =	sadd.s32 $0x80, s11  }
0x2d: {  	[tilespmem:s11+$0xFFFFFFD0] =	vst v0  }
0x2e: {  	[tilespmem:s11+$0xFFFFFFE0] =	vst v0  }
0x2f: {  	[tilespmem:s11+$0xFFFFFFF0] =	vst v0  }
.Ltmp0:
0x30: {  	[tilespmem:s11+$0x0] =	vst v0;
	(pc) =	sbr.rel @p0 .LBB2_2-.Ltmp0, $4  }
0x31: {  	[tilespmem:s11+$0x10] =	vst v0  }
0x32: {  	[tilespmem:s11+$0x20] =	vst v0  }
0x33: {  	[tilespmem:s11+$0x30] =	vst v0  }
0x34: {  	s13 =	sshra.s32 s12, $0x2;
	s12 =	sadd.s32 $0x40, s12;
	[tilespmem:s11+$0xFFFFFFC0] =	vst v0  }
0x35: {  	[tilespmem:s13+$0x28A0] =	vst v0;
	s11 =	rddreg [dreg:$0x7]  }
0x36: {  	[spmem:s11] =	stream.linear.scatter [tilespmem:s29], [sflag:$0x4], $0x2800, $0x38;
	[tilespmem:$0x195A0] =	vst v63  }
0x37: {  	_ =	swait.ge [sflag:s30], $0x2800  }
0x38: {  	[sflag:s30] =	ssyncset.done $0x0  }
0x39: {  	[sflag:s30] =	ssyncadd.s32 $0xFFFFD800  }
0x3a: {  	[spmem:s7] =	stream.linear.scatter [tilespmem:s31], [sflag:$0x4], $0x500, $0x38;
	[tilespmem:$0x195A0] =	vst v63  }
0x3b: {  	_ =	swait.ge [sflag:s30], $0x500  }
0x3c: {  	[sflag:s30] =	ssyncset.done $0x0  }
0x3d: {  	s13 =	rddreg [dreg:$0x8];
	[sflag:s30] =	ssyncadd.s32 $0xFFFFFB00  }
0x3e: {  	[spmem:s13] =	stream.linear.scatter [tilespmem:s29], [sflag:$0x4], $0x2800, $0x38;
	[tilespmem:$0x195A0] =	vst v63  }
0x3f: {  	_ =	swait.ge [sflag:s30], $0x2800  }
0x40: {  	[sflag:s30] =	ssyncset.done $0x0  }
0x41: {  	s14 =	rddreg [dreg:$0x9];
	[sflag:s30] =	ssyncadd.s32 $0xFFFFD800  }
0x42: {  	[spmem:s14] =	stream.linear.scatter [tilespmem:s31], [sflag:$0x4], $0x500, $0x38;
	[tilespmem:$0x195A0] =	vst v63  }
0x43: {  	_ =	swait.ge [sflag:s30], $0x500  }
0x44: {  	[sflag:s30] =	ssyncset.done $0x0  }
0x45: {  	s15 =	rddreg [dreg:$0xa];
	[sflag:s30] =	ssyncadd.s32 $0xFFFFFB00  }
0x46: {  	[spmem:s15] =	stream.linear.scatter [tilespmem:s29], [sflag:$0x4], $0x2800, $0x38;
	[tilespmem:$0x195A0] =	vst v63  }
0x47: {  	_ =	swait.ge [sflag:s30], $0x2800  }
0x48: {  	[sflag:s30] =	ssyncset.done $0x0  }
0x49: {  	s16 =	rddreg [dreg:$0xb];
	[sflag:s30] =	ssyncadd.s32 $0xFFFFD800  }
0x4a: {  	[spmem:s16] =	stream.linear.scatter [tilespmem:s31], [sflag:$0x4], $0x500, $0x38;
	[tilespmem:$0x195A0] =	vst v63  }
0x4b: {  	_ =	swait.ge [sflag:s30], $0x500  }
0x4c: {  	[sflag:s30] =	ssyncset.done $0x0  }
0x4d: {  	s12 =	rddreg [dreg:$0xc];
	[sflag:s30] =	ssyncadd.s32 $0xFFFFFB00  }
0x4e: {  	[spmem:s12] =	stream.linear.scatter [tilespmem:s29], [sflag:$0x4], $0x2800, $0x38;
	[tilespmem:$0x195A0] =	vst v63  }
0x4f: {  	_ =	swait.ge [sflag:s30], $0x2800  }
0x50: {  	[sflag:s30] =	ssyncset.done $0x0  }
0x51: {  	s13 =	rddreg [dreg:$0xd];
	[sflag:s30] =	ssyncadd.s32 $0xFFFFD800  }
0x52: {  	[spmem:s13] =	stream.linear.scatter [tilespmem:s31], [sflag:$0x4], $0x500, $0x38;
	[tilespmem:$0x195A0] =	vst v63  }
0x53: {  	_ =	swait.ge [sflag:s30], $0x500  }
0x54: {  	[sflag:s30] =	ssyncset.done $0x0  }
0x55: {  	s14 =	rddreg [dreg:$0xe];
	[sflag:s30] =	ssyncadd.s32 $0xFFFFFB00  }
0x56: {  	[spmem:s14] =	stream.linear.scatter [tilespmem:s29], [sflag:$0x4], $0x2800, $0x38;
	[tilespmem:$0x195A0] =	vst v63  }
0x57: {  	_ =	swait.ge [sflag:s30], $0x2800  }
0x58: {  	[sflag:s30] =	ssyncset.done $0x0  }
0x59: {  	[sflag:s30] =	ssyncadd.s32 $0xFFFFD800  }
0x5a: {  	[spmem:s17] =	stream.linear.scatter [tilespmem:s31], [sflag:$0x4], $0x500, $0x38;
	[tilespmem:$0x195A0] =	vst v63  }
0x5b: {  	_ =	swait.ge [sflag:s30], $0x500  }
0x5c: {  	[sflag:s30] =	ssyncset.done $0x0  }
0x5d: {  	[sflag:s30] =	ssyncadd.s32 $0xFFFFFB00  }
0x5e: {  	[spmem:s18] =	stream.linear.scatter [tilespmem:s29], [sflag:$0x4], $0x2800, $0x38;
	[tilespmem:$0x195A0] =	vst v63  }
0x5f: {  	_ =	swait.ge [sflag:s30], $0x2800  }
0x60: {  	[sflag:s30] =	ssyncset.done $0x0  }
0x61: {  	[sflag:s30] =	ssyncadd.s32 $0xFFFFD800  }
0x62: {  	[spmem:s19] =	stream.linear.scatter [tilespmem:s31], [sflag:$0x4], $0x500, $0x38;
	[tilespmem:$0x195A0] =	vst v63  }
0x63: {  	_ =	swait.ge [sflag:s30], $0x500  }
0x64: {  	[sflag:s30] =	ssyncset.done $0x0  }
0x65: {  	[sflag:s30] =	ssyncadd.s32 $0xFFFFFB00  }
0x66: {  	[spmem:s20] =	stream.linear.scatter [tilespmem:s29], [sflag:$0x4], $0x2800, $0x38;
	[tilespmem:$0x195A0] =	vst v63  }
0x67: {  	_ =	swait.ge [sflag:s30], $0x2800  }
0x68: {  	[sflag:s30] =	ssyncset.done $0x0  }
0x69: {  	[sflag:s30] =	ssyncadd.s32 $0xFFFFD800  }
0x6a: {  	[spmem:s21] =	stream.linear.scatter [tilespmem:s31], [sflag:$0x4], $0x500, $0x38;
	[tilespmem:$0x195A0] =	vst v63  }
0x6b: {  	_ =	swait.ge [sflag:s30], $0x500  }
0x6c: {  	[sflag:s30] =	ssyncset.done $0x0  }
0x6d: {  	[sflag:s30] =	ssyncadd.s32 $0xFFFFFB00  }
0x6e: {  	[spmem:s22] =	stream.linear.scatter [tilespmem:s29], [sflag:$0x4], $0x2800, $0x38;
	[tilespmem:$0x195A0] =	vst v63  }
0x6f: {  	_ =	swait.ge [sflag:s30], $0x2800  }
0x70: {  	[sflag:s30] =	ssyncset.done $0x0  }
0x71: {  	[sflag:s30] =	ssyncadd.s32 $0xFFFFD800  }
0x72: {  	[spmem:s23] =	stream.linear.scatter [tilespmem:s31], [sflag:$0x4], $0x500, $0x38;
	[tilespmem:$0x195A0] =	vst v63  }
0x73: {  	_ =	swait.ge [sflag:s30], $0x500  }
0x74: {  	[sflag:s30] =	ssyncset.done $0x0  }
0x75: {  	[sflag:s30] =	ssyncadd.s32 $0xFFFFFB00  }
0x76: {  	s15 =	sadd.s32 $0x0, s25;
	[bflag:$0x0] =	sbarrier.arrive $0xFFFF  }
0x77: {  	[tilespmem:s29], [sflag:$0x1] =	stream.linear.gather [hbm4b:s15+s4], $0x2800, $0x38;
	[tilespmem:$0x195A0] =	vst v63  }
0x78: {  	s16 =	sadd.s32 $0x0, s24  }
0x79: {  	[tilespmem:s31], [sflag:$0x2] =	stream.strided.gather [hbm4b:s16+s1], $0x500, s0, s1, $0x38;
	[tilespmem:$0x195A0] =	vst v63  }
0x7a: {  	_ = 	snop  }
0x7b: {  	[tilespmem:s4], [sflag:$0x3] =	stream.linear.gather [hbm4b:s26+s4], $0x50, $0x38;
	[tilespmem:$0x195A0] =	vst v63  }
0x7c: {  	_ =	swait.ge [sflag:s5], $0x2800  }
0x7d: {  	[sflag:s5] =	ssyncset.done $0x0  }
0x7e: {  	[sflag:s5] =	ssyncadd.s32 $0xFFFFD800  }
0x7f: {  	_ =	swait.ge [sflag:s6], $0x500  }
0x80: {  	[sflag:s6] =	ssyncset.done $0x0  }
0x81: {  	[sflag:s6] =	ssyncadd.s32 $0xFFFFFB00  }
0x82: {  	_ =	swait.ge [sflag:s8], $0x50  }
0x83: {  	[sflag:s8] =	ssyncset.done $0x0  }
0x84: {  	[sflag:s8] =	ssyncadd.s32 $0xFFFFFFB0  }
0x85: {  	[spmem:s2] =	stream.indirect.scatter.add.f32 [tilespmem:s29], [sflag:$0x4], $0x80, s4, s9, $0xb8;
	[tilespmem:$0x195A0] =	vst v63  }
0x86: {  	_ =	swait.ge [sflag:s30], $0x2800  }
0x87: {  	[sflag:s30] =	ssyncset.done $0x0  }
0x88: {  	[sflag:s30] =	ssyncadd.s32 $0xFFFFD800  }
0x89: {  	[spmem:s3] =	stream.indirect.scatter.add.f32 [tilespmem:s31], [sflag:$0x4], $0x10, s4, s9, $0xb8;
	[tilespmem:$0x195A0] =	vst v63  }
0x8a: {  	s11 =	simm.s32 $0x500;
	_ =	swait.ge [sflag:s30], $0x500  }
0x8b: {  	s12 =	sadd.s32 $0xA, s26;
	s13 =	simm.s32 $0xA00;
	[sflag:s30] =	ssyncset.done $0x0  }
.LBB2_4:
0x8c: {  	s14 =	sadd.s32 s11, s25  }
0x8d: {  	[sflag:s30] =	ssyncadd.s32 $0xFFFFFB00;
	s15 =	smov.u32 s13;
	s16 =	sadd.s32 $0x500, s13  }
0x8e: {  	[tilespmem:s29], [sflag:$0x1] =	stream.linear.gather [hbm4b:s14+s4], $0x2800, $0x38;
	[tilespmem:$0x195A0] =	vst v63  }
0x8f: {  	p0 =	sne.s32 s13, $0x26C00;
	s13 =	sadd.s32 s11, s24;
	s11 =	smov.u32 s15  }
0x90: {  	[tilespmem:s31], [sflag:$0x2] =	stream.strided.gather [hbm4b:s13+s1], $0x500, s0, s1, $0x38;
	[tilespmem:$0x195A0] =	vst v63  }
0x91: {  	_ = 	snop  }
0x92: {  	[tilespmem:s4], [sflag:$0x3] =	stream.linear.gather [hbm4b:s12+s4], $0x50, $0x38;
	[tilespmem:$0x195A0] =	vst v63  }
0x93: {  	_ =	swait.ge [sflag:s5], $0x2800  }
0x94: {  	[sflag:s5] =	ssyncset.done $0x0  }
0x95: {  	[sflag:s5] =	ssyncadd.s32 $0xFFFFD800  }
0x96: {  	_ =	swait.ge [sflag:s6], $0x500  }
0x97: {  	[sflag:s6] =	ssyncset.done $0x0  }
0x98: {  	[sflag:s6] =	ssyncadd.s32 $0xFFFFFB00  }
0x99: {  	_ =	swait.ge [sflag:s8], $0x50  }
0x9a: {  	[sflag:s8] =	ssyncset.done $0x0  }
0x9b: {  	[sflag:s8] =	ssyncadd.s32 $0xFFFFFFB0  }
0x9c: {  	[spmem:s2] =	stream.indirect.scatter.add.f32 [tilespmem:s29], [sflag:$0x4], $0x80, s4, s9, $0xb8;
	[tilespmem:$0x195A0] =	vst v63  }
0x9d: {  	_ =	swait.ge [sflag:s30], $0x2800  }
.Ltmp1:
0x9e: {  	[sflag:s30] =	ssyncset.done $0x0;
	(pc) =	sbr.rel @p0 .LBB2_4-.Ltmp1, $4  }
0x9f: {  	[sflag:s30] =	ssyncadd.s32 $0xFFFFD800  }
0xa0: {  	[spmem:s3] =	stream.indirect.scatter.add.f32 [tilespmem:s31], [sflag:$0x4], $0x10, s4, s9, $0xb8;
	[tilespmem:$0x195A0] =	vst v63  }
0xa1: {  	_ =	swait.ge [sflag:s30], $0x500  }
0xa2: {  	s13 =	smov.u32 s16;
	s12 =	sadd.s32 $0xA, s12;
	[sflag:s30] =	ssyncset.done $0x0  }
0xa3: {  	s13 =	sadd.s32 s11, s25;
	[sflag:s30] =	ssyncadd.s32 $0xFFFFFB00  }
0xa4: {  	[tilespmem:s29], [sflag:$0x1] =	stream.linear.gather [hbm4b:s13+s4], $0x2800, $0x38;
	[tilespmem:$0x195A0] =	vst v63  }
0xa5: {  	s16 =	sadd.s32 s11, s24  }
0xa6: {  	[tilespmem:s31], [sflag:$0x2] =	stream.strided.gather [hbm4b:s16+s1], $0x500, s0, s1, $0x38;
	[tilespmem:$0x195A0] =	vst v63  }
0xa7: {  	_ = 	snop  }
0xa8: {  	[tilespmem:s4], [sflag:$0x3] =	stream.linear.gather [hbm4b:s12+s4], $0x50, $0x38;
	[tilespmem:$0x195A0] =	vst v63  }
0xa9: {  	_ =	swait.ge [sflag:s5], $0x2800  }
0xaa: {  	[sflag:s5] =	ssyncset.done $0x0  }
0xab: {  	[sflag:s5] =	ssyncadd.s32 $0xFFFFD800  }
0xac: {  	_ =	swait.ge [sflag:s6], $0x500  }
0xad: {  	[sflag:s6] =	ssyncset.done $0x0  }
0xae: {  	[sflag:s6] =	ssyncadd.s32 $0xFFFFFB00  }
0xaf: {  	_ =	swait.ge [sflag:s8], $0x50  }
0xb0: {  	[sflag:s8] =	ssyncset.done $0x0  }
0xb1: {  	[sflag:s8] =	ssyncadd.s32 $0xFFFFFFB0  }
0xb2: {  	[spmem:s2] =	stream.indirect.scatter.add.f32 [tilespmem:s29], [sflag:$0x4], $0x80, s4, s9, $0xb8;
	[tilespmem:$0x195A0] =	vst v63  }
0xb3: {  	_ =	swait.ge [sflag:s30], $0x2800  }
0xb4: {  	[sflag:s30] =	ssyncset.done $0x0  }
0xb5: {  	[sflag:s30] =	ssyncadd.s32 $0xFFFFD800  }
0xb6: {  	[spmem:s3] =	stream.indirect.scatter.add.f32 [tilespmem:s31], [sflag:$0x4], $0x10, s4, s9, $0xb8;
	[tilespmem:$0x195A0] =	vst v63  }
0xb7: {  	_ =	swait.ge [sflag:s30], $0x500  }
0xb8: {  	[sflag:s30] =	ssyncset.done $0x0  }
0xb9: {  	s12 =	stileid.u32;
	[sflag:s30] =	ssyncadd.s32 $0xFFFFFB00  }
0xba: {  	s11 =	sshll.u32 s12, $0x6;
	[bflag:$0x0] =	sbarrier.arrive $0xFFFF  }
0xbb: {  	s11 =	sor.u32 $0x1C04, s11;
	s13 =	rddreg [dreg:$0x4]  }
0xbc: {  	[hbm:s13], [sflag:s11] =	dma.local [spmem:s28], $0x2800  }
0xbd: {  	_ =	swait.ge [sflag:s30], $0x2800  }
0xbe: {  	[sflag:s30] =	ssyncset.done $0x0  }
0xbf: {  	s14 =	sshrl.u32 s7, $0x3;
	s15 =	rddreg [dreg:$0x5];
	[sflag:s30] =	ssyncadd.s32 $0xFFFFD800  }
0xc0: {  	[hbm:s15@s1], [sflag:s11] =	dma.strided [spmem:s14@s6], $0x500, s5, $0x2   }
0xc1: {  	_ =	swait.ge [sflag:s30], $0x500  }
0xc2: {  	s10 =	sadd.s32 $0x1, s10;
	s16 =	rddreg [dreg:$0x6]  }
0xc3: {  	p0 =	sne.s32 s10, s16  }
.Ltmp2:
0xc4: {  	_ = 	snop;
	(pc) =	sbr.rel @p0 .LBB2_1-.Ltmp2, $3  }
0xc5: {  	_ =	sdelay $0x1  }
0xc6: {  	[sflag:s30] =	ssyncset.done $0x0  }
0xc7: {  	[sflag:s30] =	ssyncadd.s32 $0xFFFFFB00  }
0xc8: {  	_ =	sfence.sel $0x180000  }
0xc9: {  	[bflag:$0x0] =	sbarrier.arrive $0xFFFF  }
0xca: {  	_ =	strace $0x9000004A  }
0xcb: {  	s0 =	stileid.u32;
	[bflag:$0x2] =	sbarrier.arrive $0xFFFF  }
0xcc: {  	p0 =	sne.s32 s0, $0x0;
	s0 =	rddreg [dreg:$0x3]  }
0xcd: {  	s0 =	sadd.s32 @!p0 $0x100000, s0  }
0xce: {  	[sflag:s0] =	ssyncadd.tile.s32 @!p0 $0x1;
	_ =	shalt  }
.Lfunc_end2:
_tile_overlayer_lowered:
.L_overlay_start_2:
0xcf: {  	(tag) =	ssettag $0x2  }
0xd0: {  	s0 =	rddreg [dreg:$0x0];
	s2 =	stileid.u32  }
0xd1: {  	s1 =	rddreg [dreg:$0x1];
	p0 =	sne.s32 s2, $0x0  }
0xd2: {  	s3 =	rddreg [dreg:$0x2];
	[bflag:$0x3] =	sbarrier.arrive $0xFFFF;
	s2 =	simm.s32 @!p0 $0x1C04  }
0xd3: {  	[timem:s3], [sflag:s2] =	dma.local @!p0 [hbm:s0], s1  }
0xd4: {  	s0 =	simm.s32 @!p0 $0x4  }
0xd5: {  	_ =	swait.ge @!p0 [sflag:s0], s1  }
0xd6: {  	s1 =	ssub.s32 @!p0 $0x0, s1;
	[sflag:s0] =	ssyncset.done @!p0 $0x0  }
0xd7: {  	[sflag:s0] =	ssyncadd.s32 @!p0 s1  }
0xd8: {  	[bflag:$0x3] =	sbarrier.arrive $0xFFFF  }
0xd9: {  	_ =	shalt  }

// kernel: kernel.7.cloned.1.call-start
scs
__scs_entry_jumppad:
0x0: {  	(pc) =	sbr.rel $0x88, $3  }
0x1: {  	(tag) =	ssettag $0x0;
	lr =	simm.s32 $0x1  }
0x2: {  	[smem:$0x3F92] =	sst lr;
	_ =	strace $0xD0000000  }
0x3: {  	_ = 	snop  }
0x4: {  	_ = 	snop  }
0x5: {  	_ = 	snop  }
0x6: {  	_ = 	snop  }
0x7: {  	_ = 	snop  }
__scs_overlays_trampoline_lowered:
0x8: {  	[smem:$0x3FA1] =	sst s0  }
0x9: {  	[smem:$0x3FA2] =	sst s1  }
0xa: {  	[smem:$0x3FA3] =	sst s2  }
0xb: {  	[smem:$0x3FA4] =	sst s3  }
0xc: {  	[smem:$0x3FA5] =	sst s4  }
0xd: {  	[smem:$0x3FA6] =	sst s5  }
0xe: {  	[smem:$0x3FA7] =	sst s6  }
0xf: {  	[smem:$0x3FA8] =	sst s7  }
0x10: {  	[smem:$0x3FA9] =	sst s8  }
0x11: {  	[smem:$0x3FAA] =	sst s9;
	s0 =	simm.s32 @!p0 $0x0  }
0x12: {  	s1 =	sld [smem:$0x3F90];
	s0 =	simm.s32 @p0 $0x1  }
0x13: {  	[smem:$0x3FAB] =	sst s0;
	s0 =	simm.s32 @!p1 $0x0  }
0x14: {  	s2 =	sld [smem:$0x3F8F];
	s0 =	simm.s32 @p1 $0x1  }
0x15: {  	[smem:$0x3FAC] =	sst s0;
	s0 =	simm.s32 @!p2 $0x0  }
0x16: {  	s3 =	sld [smem:$0x3FDB];
	s0 =	simm.s32 @p2 $0x1  }
0x17: {  	s4 =	simm.s32 $0x1BF5;
	[smem:$0x3FAE] =	sst s0  }
0x18: {  	s0 =	sld [smem:$0x3F91];
	_ =	swait.ge [sflag:s4], $0x0  }
0x19: {  	s7 =	sld [smem:$0x3F92]  }
0x1a: {  	s8 =	sadd.s32 $0xFFFFE003, lr  }
0x1b: {  	s9 =	sadd.s32 $0xFFFFFEF7, lr;
	s5 =	simm.s32 $0xFFFFFFFF;
	p2 =	slt.u32 s8, $0xFFFFF086  }
0x1c: {  	p1 =	slt.u32 s9, $0xF7A;
	s5 =	simm.s32 @!p2 $0x0  }
0x1d: {  	s5 =	simm.s32 @p1 $0x1;
	p0 =	seq.s32 s7, s2  }
0x1e: {  	s7 =	smul.u32 @!p0 $0xF7A, s2;
	p2 =	seq.s32 @!p0 s5, $0x0  }
0x1f: {  	s9 =	smul.u32 $0xF7A, s1;
	s8 =	simm.s32 @!p0 $0x1BF5;
	p2 =	por !p2, p0  }
0x20: {  	[sflag:s8] =	ssyncset.s32 @!p0 $0xFFFFF086;
	s6 =	sadd.s32 @!p0 s3, s7;
	s7 =	simm.s32 @!p0 $0x108  }
0x21: {  	s3 =	sadd.s32 s3, s9;
	s6 =	sadd.s32 @!p0 $0x88, s6;
	s7 =	simm.s32 @p2 $0x1082  }
0x22: {  	[simem:s7], [sflag:s8] =	dma.local @!p0 [hbm:s6], $0xF7A  }
0x23: {  	s9 =	sor.u32 $0xD0000000, s2;
	s6 =	simm.s32 $0x108;
	_ =	swait.ge @!p0 [sflag:s8], $0x0  }
0x24: {  	s3 =	sadd.s32 $0x88, s3;
	s6 =	simm.s32 @!p1 $0x1082;
	[sflag:s4] =	ssyncset.s32 $0xFFFFF086  }
0x25: {  	[simem:s6], [sflag:s4] =	dma.local [hbm:s3], $0xF7A  }
0x26: {  	[smem:$0x3F92] =	sst s1;
	(tag) =	ssettag s2;
	_ =	strace s9  }
0x27: {  	s1 =	sld [smem:$0x3FA2]  }
0x28: {  	s2 =	sld [smem:$0x3FA3]  }
0x29: {  	s4 =	sld [smem:$0x3FA5]  }
0x2a: {  	p0 =	seq.s32 s5, $0x0;
	s5 =	sld [smem:$0x3FA6]  }
0x2b: {  	s6 =	sld [smem:$0x3FA7]  }
0x2c: {  	s7 =	sld [smem:$0x3FA8]  }
0x2d: {  	s3 =	simm.s32 $0x108;
	s8 =	sld [smem:$0x3FA9]  }
0x2e: {  	s3 =	simm.s32 @!p0 $0x1082;
	s9 =	sld [smem:$0x3FAA]  }
0x2f: {  	lr =	sadd.s32 s0, s3;
	s0 =	sld [smem:$0x3FA1]  }
0x30: {  	s3 =	sld [smem:$0x3FA4]  }
0x31: {  	[smem:$0x3FAD] =	sst s10  }
0x32: {  	s10 =	sld [smem:$0x3FAB];
	_ =	sdelay $0x3  }
0x33: {  	p0 =	seq.s32 s10, $0x1;
	s10 =	sld [smem:$0x3FAD];
	_ =	sdelay $0x3  }
0x34: {  	[smem:$0x3FAD] =	sst s10  }
0x35: {  	s10 =	sld [smem:$0x3FAC];
	_ =	sdelay $0x3  }
0x36: {  	p1 =	seq.s32 s10, $0x1;
	s10 =	sld [smem:$0x3FAD];
	_ =	sdelay $0x3  }
0x37: {  	[smem:$0x3FAD] =	sst s10  }
0x38: {  	s10 =	sld [smem:$0x3FAE]  }
0x39: {  	_ = 	snop;
	(pc) =	sbr.ind lr, $3  }
0x3a: {  	_ = 	snop  }
0x3b: {  	_ = 	snop  }
0x3c: {  	p2 =	seq.s32 s10, $0x1;
	s10 =	sld [smem:$0x3FAD]  }
0x3d: {  	_ =	shalt  }
0x3e: {  	_ =	shalt  }
0x3f: {  	_ =	shalt  }
0x40: {  	_ =	shalt  }
0x41: {  	_ =	shalt  }
0x42: {  	_ =	shalt  }
0x43: {  	_ =	shalt  }
0x44: {  	_ =	shalt  }
0x45: {  	_ =	shalt  }
0x46: {  	_ =	shalt  }
0x47: {  	_ =	shalt  }
0x48: {  	_ =	shalt  }
0x49: {  	_ =	shalt  }
0x4a: {  	_ =	shalt  }
0x4b: {  	_ =	shalt  }
0x4c: {  	_ =	shalt  }
0x4d: {  	_ =	shalt  }
0x4e: {  	_ =	shalt  }
0x4f: {  	_ =	shalt  }
0x50: {  	_ =	shalt  }
0x51: {  	_ =	shalt  }
0x52: {  	_ =	shalt  }
0x53: {  	_ =	shalt  }
0x54: {  	_ =	shalt  }
0x55: {  	_ =	shalt  }
0x56: {  	_ =	shalt  }
0x57: {  	_ =	shalt  }
0x58: {  	_ =	shalt  }
0x59: {  	_ =	shalt  }
0x5a: {  	_ =	shalt  }
0x5b: {  	_ =	shalt  }
0x5c: {  	_ =	shalt  }
0x5d: {  	_ =	shalt  }
0x5e: {  	_ =	shalt  }
0x5f: {  	_ =	shalt  }
0x60: {  	_ =	shalt  }
0x61: {  	_ =	shalt  }
0x62: {  	_ =	shalt  }
0x63: {  	_ =	shalt  }
0x64: {  	_ =	shalt  }
0x65: {  	_ =	shalt  }
0x66: {  	_ =	shalt  }
0x67: {  	_ =	shalt  }
0x68: {  	_ =	shalt  }
0x69: {  	_ =	shalt  }
0x6a: {  	_ =	shalt  }
0x6b: {  	_ =	shalt  }
0x6c: {  	_ =	shalt  }
0x6d: {  	_ =	shalt  }
0x6e: {  	_ =	shalt  }
0x6f: {  	_ =	shalt  }
0x70: {  	_ =	shalt  }
0x71: {  	_ =	shalt  }
0x72: {  	_ =	shalt  }
0x73: {  	_ =	shalt  }
0x74: {  	_ =	shalt  }
0x75: {  	_ =	shalt  }
0x76: {  	_ =	shalt  }
0x77: {  	_ =	shalt  }
0x78: {  	_ =	shalt  }
0x79: {  	_ =	shalt  }
0x7a: {  	_ =	shalt  }
0x7b: {  	_ =	shalt  }
0x7c: {  	_ =	shalt  }
0x7d: {  	_ =	shalt  }
0x7e: {  	_ =	shalt  }
0x7f: {  	_ =	shalt  }
0x80: {  	_ =	shalt  }
0x81: {  	_ =	shalt  }
0x82: {  	_ =	shalt  }
0x83: {  	_ =	shalt  }
0x84: {  	_ =	shalt  }
0x85: {  	_ =	shalt  }
0x86: {  	_ =	shalt  }
0x87: {  	_ =	shalt  }
.Lfunc_end0:
.L_simem_size_0:
called_computation_lowered:
.L_overlay_start_0:
0x88: {  	s2 =	sld [smem:$0x3FD9]  }
0x89: {  	s3 =	sld [smem:$0x3FFE];
	_ =	sdelay $0x1  }
0x8a: {  	s1 =	srdreg.scid  }
0x8b: {  	s0 =	sand.u32 $0x1, s1  }
0x8c: {  	s17 =	sshll.u32 s0, $0xA;
	s2 =	sadd.s32 s3, s2  }
0x8d: {  	s2 =	sadd.s32 s2, s17  }
0x8e: {  	[smem:$0x3FB9] =	sst s2  }
0x8f: {  	_ = 	snop  }
0x90: {  	s2 =	sld [smem:$0x3FD0];
	(tm) =	ssettm $0x1  }
0x91: {  	s18 =	sld [smem:$0x3FFB];
	_ =	sdelay $0x3  }
0x92: {  	_ =	strace s18  }
0x93: {  	s3 =	sld [smem:$0x3FFC];
	_ =	sdelay $0x3  }
0x94: {  	_ =	strace s3  }
0x95: {  	s3 =	sld [smem:$0x3FFD];
	_ =	sdelay $0x3  }
0x96: {  	_ =	strace s3  }
0x97: {  	_ =	strace $0x8FFFFFFF  }
0x98: {  	s19 =	sld [smem:$0x3FDB];
	_ =	sdelay $0x1  }
0x99: {  	s4 =	simm.s32 $_scs_section_size  }
0x9a: {  	s5 =	simm.s32 $_size__tile_overlayer_lowered;
	s6 =	simm.s32 $_tile_overlayer_lowered  }
0x9b: {  	s22 =	simm.s32 $0x1BFF;
	s21 =	sshll.u32 s6, $0x1;
	s3 =	sadd.s32 s4, s19  }
0x9c: {  	s7 =	simm.s32 $0x0;
	s20 =	sshll.u32 s5, $0x1;
	s5 =	sadd.s32 s21, s3  }
0x9d: {  	[timem:s7], [sflag:s22] =	dma.local [hbm:s5], s20  }
0x9e: {  	_ =	swait.ge [sflag:s22], s20  }
0x9f: {  	s4 =	ssub.s32 $0x0, s20;
	[sflag:s22] =	ssyncset.done $0x0  }
0xa0: {  	[sflag:s22] =	ssyncadd.s32 s4;
	_ =	sdelay $0x1  }
0xa1: {  	s23 =	simm.s32 $0x1B8B  }
0xa2: {  	_ =	swait.ge [sflag:s23], $0x1  }
0xa3: {  	[sflag:s23] =	ssyncset.done $0x0  }
0xa4: {  	s25 =	simm.s32 $0x1B8E;
	s24 =	sld [smem:$0x3FFE];
	[sflag:s23] =	ssyncadd.s32 $0xFFFFFFFF  }
0xa5: {  	s26 =	simm.s32 $execute0_lowered;
	[smem:$0x3FD2] =	sst s25  }
0xa6: {  	s5 =	sshll.u32 s26, $0x1;
	_ =	strace $0x80000046;
	[dreg:$0x1] =	wrdreg $0xFFFFFFFF  }
0xa7: {  	s28 =	simm.s32 $_size_execute0_lowered;
	s3 =	sadd.s32 s3, s5;
	[dreg:$0x0] =	wrdreg $0x0  }
0xa8: {  	s5 =	sshll.u32 s28, $0x1;
	[dreg:$0x2] =	wrdreg s3  }
0xa9: {  	[dreg:$0x3] =	wrdreg s5  }
0xaa: {  	[dreg:$0x4] =	wrdreg $0xC0  }
0xab: {  	_ =	task [dreg:s7], $0x5FFFF  }
0xac: {  	[dreg:$0x1] =	wrdreg $0xFFFFFFFF  }
0xad: {  	[dreg:$0x0] =	wrdreg $0x60  }
0xae: {  	[dreg:$0x2] =	wrdreg s2  }
0xaf: {  	[dreg:$0x3] =	wrdreg s24  }
0xb0: {  	[dreg:$0x4] =	wrdreg $0x9  }
0xb1: {  	_ =	task.clear_ibuf [dreg:s7], $0x5FFFF;
	_ =	strace $0x90000046  }
0xb2: {  	s29 =	simm.s32 $0x9;
	_ =	strace $0x80000048  }
0xb3: {  	_ =	swait.ge [sflag:s29], $0x1  }
0xb4: {  	[sflag:s29] =	ssyncadd.s32 $0xFFFFFFFF  }
0xb5: {  	_ =	strace $0x90000048  }
0xb6: {  	_ =	sfence  }
0xb7: {  	s30 =	sld [smem:$0x0];
	_ =	sdelay $0x2  }
0xb8: {  	s31 =	sshll.u32 s1, $0xD;
	s1 =	sshrl.u32 s1, $0x2  }
0xb9: {  	s3 =	sand.u32 $0x4000, s31;
	s1 =	sadd.s32 s1, s30  }
0xba: {  	s0 =	sor.u32 s3, s0;
	s1 =	sshll.u32 s1, $0x11  }
0xbb: {  	s0 =	sor.u32 s1, s0  }
0xbc: {  	s0 =	sadd.s32 $0x8F2B, s0  }
0xbd: {  	[sflag:s0] =	ssyncadd.remote.s32 $0x1  }
0xbe: {  	_ =	sfence.sel $0xFFFF  }
0xbf: {  	[dreg:$0x0] =	wrdreg $0xFFFFFFFF;
	(pc) =	sbr.abs _section_cstart, $3  }
0xc0: {  	[dreg:$0x1] =	wrdreg $0xFFFFFFFF  }
0xc1: {  	_ =	task.clear_ibuf [dreg:s7], $0x2FFFF;
	_ =	strace $0x9FFFFFFF  }
0xc2: {  	(tm) =	ssettm $0x7FFFFFFF  }
0xc3: {  	_ =	shalt  }
tec
execute0_lowered:
.L_overlay_start_1:
0x0: {  	(tag) =	ssettag $0x1  }
0x1: {  	s2 =	rddreg [dreg:$0x0]  }
0x2: {  	s6 =	rddreg [dreg:$0x1]  }
0x3: {  	s0 =	rddreg [dreg:$0x2];
	s4 =	srdreg.scid  }
0x4: {  	s1 =	stileid.u32;
	s3 =	simm.s32 $0x0;
	s13 =	simm.s32 $0x5  }
0x5: {  	s14 =	simm.s32 $0x50;
	s15 =	simm.s32 $0x7620;
	s16 =	simm.s32 $0x4E20  }
0x6: {  	s17 =	simm.s32 $0x9E20;
	s18 =	simm.s32 $0xA320;
	s19 =	simm.s32 $0x1  }
0x7: {  	s20 =	simm.s32 $0x2;
	s21 =	simm.s32 $0x3;
	s22 =	simm.s32 $0x10  }
0x8: {  	s23 =	simm.s32 $0x80;
	s24 =	simm.s32 $0x4;
	s25 =	simm.s32 $0x0  }
0x9: {  	s7 =	sand.u32 $0x1, s4;
	s28 =	sshll.u32 s1, $0x1;
	[smem:$0x7FF] =	sst s3  }
0xa: {  	s4 =	sadd.s32 $0x6AE00, s6;
	s9 =	smul.u32 $0x4E200, s1;
	s5 =	sor.u32 s7, s28  }
0xb: {  	_ =	strace $0x80000047;
	s10 =	ssub.s32 $0x2, s7;
	s12 =	smul.u32 $0x27100, s7  }
0xc: {  	s8 =	smul.u32 $0x2710, s5;
	s11 =	sshrl.u32 s10, $0x1;
	s30 =	sadd.s32 s9, s6  }
0xd: {  	s5 =	sadd.s32 $0x65E00, s6;
	s31 =	ssub.s32 s10, s11;
	s12 =	sadd.s32 s12, s30  }
0xe: {  	s8 =	sshrl.u32 s8, $0x3;
	s9 =	sadd.s32 $0xF38E00, s12;
	s10 =	sadd.s32 $0xA56E00, s12  }
0xf: {  	s11 =	sadd.s32 $0x92E00, s12;
	s12 =	sadd.s32 $0x574E00, s12;
	s29 =	sadd.s32 s8, s6  }
0x10: {  	s8 =	smax.u32 s31, $0x1;
	s6 =	sadd.s32 $0x2B000, s29;
	s7 =	sadd.s32 $0x34E00, s29  }
.LBB2_1:
0x11: {  	[tilespmem:s3], [sflag:$0x5] =	stream.linear.gather [hbm4b:s6+s3], $0x2710, $0x38;
	[tilespmem:$0xA820] =	vst v63  }
0x12: {  	_ =	swait.ge [sflag:s13], $0x2710  }
0x13: {  	[sflag:s13] =	ssyncset.done $0x0  }
0x14: {  	s26 =	simm.s32 $0x2710;
	[sflag:s13] =	ssyncadd.s32 $0xFFFFD8F0  }
0x15: {  	[tilespmem:s26], [sflag:$0x5] =	stream.linear.gather [hbm4b:s7+s3], $0x2710, $0x38;
	[tilespmem:$0xA820] =	vst v63  }
0x16: {  	_ =	swait.ge [sflag:s13], $0x2710  }
0x17: {  	[sflag:s13] =	ssyncset.done $0x0  }
0x18: {  	[sflag:s13] =	ssyncadd.s32 $0xFFFFD8F0  }
0x19: {  	[tilespmem:s15], [sflag:$0x1] =	stream.indirect.gather [hbm4b:s4+s14], $0x80, s3, s14, $0xb8;
	[tilespmem:$0xA820] =	vst v63  }
0x1a: {  	_ = 	snop  }
0x1b: {  	[tilespmem:s16], [sflag:$0x2] =	stream.indirect.gather [hbm4b:s2+s14], $0x80, s26, s14, $0xb8;
	[tilespmem:$0xA820] =	vst v63  }
0x1c: {  	_ = 	snop  }
0x1d: {  	[tilespmem:s17], [sflag:$0x3] =	stream.indirect.gather [hbm4b:s5+s14], $0x10, s3, s14, $0xb8;
	[tilespmem:$0xA820] =	vst v63  }
0x1e: {  	_ = 	snop  }
0x1f: {  	[tilespmem:s18], [sflag:$0x4] =	stream.indirect.gather [hbm4b:s5+s14], $0x10, s26, s14, $0xb8;
	[tilespmem:$0xA820] =	vst v63  }
0x20: {  	_ =	swait.ge [sflag:s19], $0x2800  }
0x21: {  	[sflag:s19] =	ssyncset.done $0x0  }
0x22: {  	s28 =	sadd.s32 $0x0, s12;
	[sflag:s19] =	ssyncadd.s32 $0xFFFFD800  }
0x23: {  	[hbm4b:s28+s3] =	stream.linear.scatter [tilespmem:s15], [sflag:$0x5], $0x2800, $0x38;
	[tilespmem:$0xA820] =	vst v63  }
0x24: {  	_ =	swait.ge [sflag:s13], $0x2800  }
0x25: {  	[sflag:s13] =	ssyncset.done $0x0  }
0x26: {  	[sflag:s13] =	ssyncadd.s32 $0xFFFFD800  }
0x27: {  	_ =	swait.ge [sflag:s20], $0x2800  }
0x28: {  	[sflag:s20] =	ssyncset.done $0x0  }
0x29: {  	s28 =	sadd.s32 $0x0, s11;
	[sflag:s20] =	ssyncadd.s32 $0xFFFFD800  }
0x2a: {  	[hbm4b:s28+s3] =	stream.linear.scatter [tilespmem:s16], [sflag:$0x5], $0x2800, $0x38;
	[tilespmem:$0xA820] =	vst v63  }
0x2b: {  	_ =	swait.ge [sflag:s13], $0x2800  }
0x2c: {  	[sflag:s13] =	ssyncset.done $0x0  }
0x2d: {  	[sflag:s13] =	ssyncadd.s32 $0xFFFFD800  }
0x2e: {  	_ =	swait.ge [sflag:s21], $0x500  }
0x2f: {  	[sflag:s21] =	ssyncset.done $0x0  }
0x30: {  	s28 =	sadd.s32 $0x0, s10;
	[sflag:s21] =	ssyncadd.s32 $0xFFFFFB00  }
0x31: {  	[hbm4b:s28+s22] =	stream.strided.scatter [tilespmem:s17], [sflag:$0x5], $0x500, s23, s22, $0x38;
	[tilespmem:$0xA820] =	vst v63  }
0x32: {  	_ =	swait.ge [sflag:s13], $0x500  }
0x33: {  	[sflag:s13] =	ssyncset.done $0x0  }
0x34: {  	[sflag:s13] =	ssyncadd.s32 $0xFFFFFB00  }
0x35: {  	_ =	swait.ge [sflag:s24], $0x500  }
0x36: {  	[sflag:s24] =	ssyncset.done $0x0  }
0x37: {  	s28 =	sadd.s32 $0x0, s9;
	[sflag:s24] =	ssyncadd.s32 $0xFFFFFB00  }
0x38: {  	[hbm4b:s28+s22] =	stream.strided.scatter [tilespmem:s18], [sflag:$0x5], $0x500, s23, s22, $0x38;
	[tilespmem:$0xA820] =	vst v63  }
0x39: {  	_ =	swait.ge [sflag:s13], $0x500  }
0x3a: {  	s29 =	simm.s32 $0x0;
	s28 =	simm.s32 $0x500;
	[sflag:s13] =	ssyncset.done $0x0  }
.LBB2_2:
0x3b: {  	[sflag:s13] =	ssyncadd.s32 $0xFFFFFB00;
	s26 =	sadd.s32 $0x50, s26;
	s29 =	sadd.s32 $0x50, s29  }
0x3c: {  	[tilespmem:s15], [sflag:$0x1] =	stream.indirect.gather [hbm4b:s4+s14], $0x80, s29, s14, $0xb8;
	[tilespmem:$0xA820] =	vst v63  }
0x3d: {  	p0 =	sne.s32 s28, $0x26C00;
	s30 =	smov.u32 s28;
	s28 =	sadd.s32 $0x500, s28  }
0x3e: {  	[tilespmem:s16], [sflag:$0x2] =	stream.indirect.gather [hbm4b:s2+s14], $0x80, s26, s14, $0xb8;
	[tilespmem:$0xA820] =	vst v63  }
0x3f: {  	_ = 	snop  }
0x40: {  	[tilespmem:s17], [sflag:$0x3] =	stream.indirect.gather [hbm4b:s5+s14], $0x10, s29, s14, $0xb8;
	[tilespmem:$0xA820] =	vst v63  }
0x41: {  	_ = 	snop  }
0x42: {  	[tilespmem:s18], [sflag:$0x4] =	stream.indirect.gather [hbm4b:s5+s14], $0x10, s26, s14, $0xb8;
	[tilespmem:$0xA820] =	vst v63  }
0x43: {  	_ =	swait.ge [sflag:s19], $0x2800  }
0x44: {  	[sflag:s19] =	ssyncset.done $0x0  }
0x45: {  	s31 =	sadd.s32 s30, s12;
	[sflag:s19] =	ssyncadd.s32 $0xFFFFD800  }
0x46: {  	[hbm4b:s31+s3] =	stream.linear.scatter [tilespmem:s15], [sflag:$0x5], $0x2800, $0x38;
	[tilespmem:$0xA820] =	vst v63  }
0x47: {  	_ =	swait.ge [sflag:s13], $0x2800  }
0x48: {  	[sflag:s13] =	ssyncset.done $0x0  }
0x49: {  	[sflag:s13] =	ssyncadd.s32 $0xFFFFD800  }
0x4a: {  	_ =	swait.ge [sflag:s20], $0x2800  }
0x4b: {  	[sflag:s20] =	ssyncset.done $0x0  }
0x4c: {  	s31 =	sadd.s32 s30, s11;
	[sflag:s20] =	ssyncadd.s32 $0xFFFFD800  }
0x4d: {  	[hbm4b:s31+s3] =	stream.linear.scatter [tilespmem:s16], [sflag:$0x5], $0x2800, $0x38;
	[tilespmem:$0xA820] =	vst v63  }
0x4e: {  	_ =	swait.ge [sflag:s13], $0x2800  }
0x4f: {  	[sflag:s13] =	ssyncset.done $0x0  }
0x50: {  	[sflag:s13] =	ssyncadd.s32 $0xFFFFD800  }
0x51: {  	_ =	swait.ge [sflag:s21], $0x500  }
0x52: {  	[sflag:s21] =	ssyncset.done $0x0  }
0x53: {  	s31 =	sadd.s32 s30, s10;
	[sflag:s21] =	ssyncadd.s32 $0xFFFFFB00  }
0x54: {  	[hbm4b:s31+s22] =	stream.strided.scatter [tilespmem:s17], [sflag:$0x5], $0x500, s23, s22, $0x38;
	[tilespmem:$0xA820] =	vst v63  }
0x55: {  	_ =	swait.ge [sflag:s13], $0x500  }
0x56: {  	[sflag:s13] =	ssyncset.done $0x0  }
0x57: {  	[sflag:s13] =	ssyncadd.s32 $0xFFFFFB00  }
0x58: {  	_ =	swait.ge [sflag:s24], $0x500  }
.Ltmp0:
0x59: {  	[sflag:s24] =	ssyncset.done $0x0;
	(pc) =	sbr.rel @p0 .LBB2_2-.Ltmp0, $4  }
0x5a: {  	s30 =	sadd.s32 s30, s9;
	[sflag:s24] =	ssyncadd.s32 $0xFFFFFB00  }
0x5b: {  	[hbm4b:s30+s22] =	stream.strided.scatter [tilespmem:s18], [sflag:$0x5], $0x500, s23, s22, $0x38;
	[tilespmem:$0xA820] =	vst v63  }
0x5c: {  	_ =	swait.ge [sflag:s13], $0x500  }
0x5d: {  	[sflag:s13] =	ssyncset.done $0x0  }
0x5e: {  	s25 =	sadd.s32 $0x1, s25  }
0x5f: {  	p0 =	sne.s32 s25, s8  }
.Ltmp1:
0x60: {  	_ = 	snop;
	(pc) =	sbr.rel @p0 .LBB2_1-.Ltmp1, $2  }
0x61: {  	_ =	sdelay $0x2  }
0x62: {  	[sflag:s13] =	ssyncadd.s32 $0xFFFFFB00  }
0x63: {  	_ =	sfence.sel $0x180000  }
0x64: {  	[bflag:$0x0] =	sbarrier.arrive $0xFFFF  }
0x65: {  	p0 =	sne.s32 s1, $0x0;
	_ =	strace $0x90000047  }
0x66: {  	s0 =	sadd.s32 @!p0 $0x100000, s0;
	[bflag:$0x2] =	sbarrier.arrive $0xFFFF  }
0x67: {  	[sflag:s0] =	ssyncadd.tile.s32 @!p0 $0x1;
	_ =	shalt  }
.Lfunc_end2:
_tile_overlayer_lowered:
.L_overlay_start_2:
0x68: {  	(tag) =	ssettag $0x2  }
0x69: {  	s0 =	rddreg [dreg:$0x0];
	s2 =	stileid.u32  }
0x6a: {  	s1 =	rddreg [dreg:$0x1];
	p0 =	sne.s32 s2, $0x0  }
0x6b: {  	s3 =	rddreg [dreg:$0x2];
	[bflag:$0x3] =	sbarrier.arrive $0xFFFF;
	s2 =	simm.s32 @!p0 $0x1C05  }
0x6c: {  	[timem:s3], [sflag:s2] =	dma.local @!p0 [hbm:s0], s1  }
0x6d: {  	s0 =	simm.s32 @!p0 $0x5  }
0x6e: {  	_ =	swait.ge @!p0 [sflag:s0], s1  }
0x6f: {  	s1 =	ssub.s32 @!p0 $0x0, s1;
	[sflag:s0] =	ssyncset.done @!p0 $0x0  }
0x70: {  	[sflag:s0] =	ssyncadd.s32 @!p0 s1  }
0x71: {  	[bflag:$0x3] =	sbarrier.arrive $0xFFFF  }
0x72: {  	_ =	shalt  }

</sc_bundles>
